<compile_context>
chip_gen: v7x
topology: tpu7x:2x2x1
jax: 0.10.2.dev20260603
libtpu: 0.0.44.dev20260713+nightly
codegen_flags: <defaults>
</compile_context>

<pallas_src>
import functools
import math

import jax
import jax.numpy as jnp
from jax import lax
from jax.experimental import pallas as pl
from jax.experimental.pallas import tpu as pltpu
from jax.experimental.pallas import tpu_sc as plsc

N = 4
C = 64
CPAD = 128
S = 512
P = 196
PPAD = 256
K = 12
BIG = 3.0e38
_EXPW = [math.exp(-k) for k in range(K)]

NC = 2
NS = 16
POS_PER_TILE = 32


def _distances(cb, xn):
    cb2 = jnp.sum(cb * cb, axis=1, keepdims=True)
    xn2 = jnp.sum(xn * xn, axis=0, keepdims=True)
    dot = jax.lax.dot_general(cb, xn, (((1,), (0,)), ((), ())),
                              precision=jax.lax.Precision.HIGHEST,
                              preferred_element_type=jnp.float32)
    return cb2 - 2.0 * dot + xn2


def _tc_distance_body(x_ref, cb_ref, idx_ref, m0_ref, cbp_ref, lcm_ref):
    cb = cb_ref[...]
    cbp_ref[...] = jnp.concatenate(
        [cb, jnp.zeros((S, CPAD - C), jnp.float32)], axis=1)
    iota_s = jax.lax.broadcasted_iota(jnp.int32, (S, P), 0)
    zpad = jnp.zeros((1, PPAD - P), jnp.int32)
    lcm = jnp.float32(0.0)
    for n in range(N):
        d = _distances(cb, x_ref[n])
        m = jnp.min(d, axis=0, keepdims=True)
        fidx = jnp.min(jnp.where(d == m, iota_s, S), axis=0, keepdims=True)
        fpad = jnp.concatenate([fidx, zpad], axis=1)
        idx_ref[pl.ds(2 * n, 2), :] = fpad.reshape(2, CPAD)
        m0_ref[pl.ds(n, 1), :] = m
        lcm = lcm + jnp.sum(m)
    lcm_ref[0, 0] = lcm / jnp.float32(N * C * P)


def _tc_loss_body(x_ref, cb_ref, m0_ref, lcb_ref):
    cb = cb_ref[...]
    lcb = jnp.float32(0.0)
    for n in range(N):
        d = _distances(cb, x_ref[n])
        mk = m0_ref[pl.ds(n, 1), :]
        for k in range(K):
            lcb = lcb + jnp.float32(_EXPW[k]) * jnp.sum(mk)
            if k < K - 1:
                mk = jnp.min(jnp.where(d > mk, d, BIG), axis=0,
                             keepdims=True)
    lcb_ref[0, 0] = lcb / jnp.float32(N * S * P)


def _sc_gather_body(idx_hbm, cbp_hbm, xq_hbm, idxv, rowsv, gsem, wsem):
    wid = lax.axis_index("s") * NC + lax.axis_index("c")
    pltpu.sync_copy(idx_hbm, idxv)
    row = wid // 4
    off = (wid % 4) * POS_PER_TILE
    base = POS_PER_TILE * wid
    i0 = idxv[row, pl.ds(off, 16)]
    i1 = idxv[row, pl.ds(off + 16, 16)]
    g0 = pltpu.async_copy(cbp_hbm.at[i0], rowsv.at[pl.ds(0, 16), :], gsem)
    g1 = pltpu.async_copy(cbp_hbm.at[i1], rowsv.at[pl.ds(16, 16), :], gsem)
    g0.wait()
    w0 = pltpu.async_copy(rowsv.at[pl.ds(0, 16), :],
                          xq_hbm.at[pl.ds(base, 16), :], wsem)
    g1.wait()
    w1 = pltpu.async_copy(rowsv.at[pl.ds(16, 16), :],
                          xq_hbm.at[pl.ds(base + 16, 16), :], wsem)
    w0.wait()
    w1.wait()


@functools.partial(
    pl.kernel,
    out_type=jax.ShapeDtypeStruct((N * PPAD, CPAD), jnp.float32),
    mesh=plsc.VectorSubcoreMesh(
        core_axis_name="c", subcore_axis_name="s",
        num_cores=NC, num_subcores=NS),
    compiler_params=pltpu.CompilerParams(
        needs_layout_passes=False, use_tc_tiling_on_sc=True),
    scratch_types=[
        pltpu.VMEM((2 * N, CPAD), jnp.int32),
        pltpu.VMEM((POS_PER_TILE, CPAD), jnp.float32),
        pltpu.SemaphoreType.DMA,
        pltpu.SemaphoreType.DMA,
    ],
)
def _sc_gather(idx_hbm, cbp_hbm, xq_hbm, idxv, rowsv, gsem, wsem):
    _sc_gather_body(idx_hbm, cbp_hbm, xq_hbm, idxv, rowsv, gsem, wsem)


def kernel(x, codebook):
    x3 = x.reshape(N, C, P)
    idx, m0, cbp, lcm = pl.pallas_call(
        _tc_distance_body,
        out_shape=(
            jax.ShapeDtypeStruct((2 * N, CPAD), jnp.int32),
            jax.ShapeDtypeStruct((N, P), jnp.float32),
            jax.ShapeDtypeStruct((S, CPAD), jnp.float32),
            jax.ShapeDtypeStruct((1, 1), jnp.float32),
        ),
        out_specs=(
            pl.BlockSpec(memory_space=pltpu.VMEM),
            pl.BlockSpec(memory_space=pltpu.VMEM),
            pl.BlockSpec(memory_space=pltpu.VMEM),
            pl.BlockSpec(memory_space=pltpu.SMEM),
        ),
        in_specs=(
            pl.BlockSpec(memory_space=pltpu.VMEM),
            pl.BlockSpec(memory_space=pltpu.VMEM),
        ),
    )(x3, codebook)

    xq = _sc_gather(idx, cbp)

    lcb = pl.pallas_call(
        _tc_loss_body,
        out_shape=jax.ShapeDtypeStruct((1, 1), jnp.float32),
        out_specs=pl.BlockSpec(memory_space=pltpu.SMEM),
        in_specs=(
            pl.BlockSpec(memory_space=pltpu.VMEM),
            pl.BlockSpec(memory_space=pltpu.VMEM),
            pl.BlockSpec(memory_space=pltpu.VMEM),
        ),
    )(x3, codebook, m0)

    xq4 = xq.reshape(N, PPAD, CPAD)[:, :P, :C]
    output = xq4.transpose(0, 2, 1).reshape(x.shape)
    idx4 = idx.reshape(N, PPAD)[:, :P]
    return (output, lcb[0, 0], lcm[0, 0], idx4.reshape(N, 14, 14))

# --- scband reference (transcript-rebuilt; emitter-appended) ---
"""Pipeline reference for scband-gvq-vae-codebook-loss-41729902248240 (READ-ONLY COPY).

The authoritative reference and input builder live on the scoring server;
editing this copy changes nothing except your own understanding.
"""

import jax, jax.numpy as jnp
import numpy as np

IN_FEATURES = 64
CODEBOOK_SIZE = 512
INFLUENCE = 1.0


def setup_inputs(seed: int = 0) -> dict:
    key = jax.random.key(seed)
    k1, k2 = jax.random.split(key)
    x = jax.random.normal(k1, (4, 64, 14, 14), dtype=jnp.float32)
    codebook = jax.random.normal(k2, (CODEBOOK_SIZE, IN_FEATURES), dtype=jnp.float32) / IN_FEATURES
    return {"x": x, "codebook": codebook}


def reference(x, codebook):
    # x: [N, C, H, W]; codebook: [S, C]
    N, C = x.shape[0], x.shape[1]
    x_flat = x.reshape(N, C, -1)                      # [N, C, P]
    x_det = jax.lax.stop_gradient(x_flat)
    # distance: [N, S, P] via broadcast [N,1,C,P] - [1,S,C,1]
    diff = x_det[:, None] - codebook[None, :, :, None]
    distances = jnp.sum(diff ** 2, axis=2)            # [N, S, P]
    encoding_indices = jnp.argmin(distances, axis=1)  # [N, P]
    # codebook[encoding_indices]: [N, P, C] -> rearrange 'N P C -> N C P' -> reshape x.shape
    x_q = jnp.take(codebook, encoding_indices, axis=0)  # [N, P, C]
    x_quantized = jnp.transpose(x_q, (0, 2, 1)).reshape(x.shape)
    # losses (training/research_mode branch; lifetime is None so no buffer updates)
    loss_commitment = jnp.mean((x - jax.lax.stop_gradient(x_quantized)) ** 2)
    d_tilde = jnp.sort(distances, axis=1)             # ascending over S
    rng = jnp.arange(CODEBOOK_SIZE, dtype=jnp.float32)
    influence = INFLUENCE  # constant decay: _idc(tp) == influence
    loss_codebook = jnp.mean(jnp.exp(-rng[None, :, None] / influence) * d_tilde)
    codebook_indices = encoding_indices.reshape((-1,) + x.shape[2:])  # [N, H, W]
    output = x + jax.lax.stop_gradient(x_quantized - x)  # straight-through
    return (output, loss_codebook, loss_commitment, codebook_indices)

if __name__ == "__main__":
    import jax
    _d = setup_inputs()
    print(jax.jit(kernel)(*tuple(_d.values())))

</pallas_src>

<mosaic_0001>
#map = affine_map<(d0, d1) -> (0, 0)>
module attributes {stable_mosaic.version = 14 : i64} {
  func.func @_sc_gather(%arg0: i32, %arg1: i32, %arg2: memref<8x128xi32, #tpu.memory_space<hbm>>, %arg3: memref<512x128xf32, #tpu.memory_space<hbm>>, %arg4: memref<1024x128xf32, #tpu.memory_space<hbm>>, %arg5: memref<8x128xi32, #tpu.memory_space<vmem>>, %arg6: memref<32x128xf32, #tpu.memory_space<vmem>>, %arg7: memref<!tpu.dma_semaphore, #tpu.memory_space<semaphore_mem>>, %arg8: memref<!tpu.dma_semaphore, #tpu.memory_space<semaphore_mem>>) attributes {dimension_semantics = [#tpu.dimension_semantics<core_parallel>, #tpu.dimension_semantics<subcore_parallel>], iteration_bounds = array<i64: 2, 16>, scalar_prefetch = 0 : i64, scratch_operands = 4 : i64, tpu.core_type = #tpu.core_type<sc_vector_subcore>, window_params = [{transform_indices = #map}, {transform_indices = #map}, {transform_indices = #map}]} {
    %mul3A = arith.constant 2 : i32
    %mul3A_0 = arith.muli %arg1, %mul3A : i32
    %add3A = arith.addi %mul3A_0, %arg0 : i32
    "tpu.region"() ({
      %run_scoped3A = tpu.sem_alloc : memref<!tpu.dma_semaphore, #tpu.memory_space<semaphore_mem>>
      tpu.enqueue_dma source(%arg2 : memref<8x128xi32, #tpu.memory_space<hbm>>) target(%arg5 : memref<8x128xi32, #tpu.memory_space<vmem>>) target_semaphore(%run_scoped3A : memref<!tpu.dma_semaphore, #tpu.memory_space<semaphore_mem>>)
      tpu.wait_dma2 semaphore(%run_scoped3A : memref<!tpu.dma_semaphore, #tpu.memory_space<semaphore_mem>>) src(%arg2 : memref<8x128xi32, #tpu.memory_space<hbm>>) dst(%arg5 : memref<8x128xi32, #tpu.memory_space<vmem>>)
      tpu.yield
    }) : () -> ()
    %jit3A = arith.constant 4 : i32
    %div3A = arith.divsi %add3A, %jit3A : i32
    %sign3A = arith.constant 0 : i32
    %sign3A_1 = arith.cmpi sgt, %add3A, %sign3A : i32
    %sign3A_2 = arith.extui %sign3A_1 : i1 to i32
    %sign3A_3 = arith.constant 0 : i32
    %sign3A_4 = arith.cmpi slt, %add3A, %sign3A_3 : i32
    %sign3A_5 = arith.extui %sign3A_4 : i1 to i32
    %sign3A_6 = arith.subi %sign3A_2, %sign3A_5 : i32
    %sign3A_7 = arith.constant 0 : i32
    %sign3A_8 = arith.cmpi sgt, %jit3A, %sign3A_7 : i32
    %sign3A_9 = arith.extui %sign3A_8 : i1 to i32
    %sign3A_10 = arith.constant 0 : i32
    %sign3A_11 = arith.cmpi slt, %jit3A, %sign3A_10 : i32
    %sign3A_12 = arith.extui %sign3A_11 : i1 to i32
    %sign3A_13 = arith.subi %sign3A_9, %sign3A_12 : i32
    %ne3A = arith.cmpi ne, %sign3A_6, %sign3A_13 : i32
    %rem3A = arith.remsi %add3A, %jit3A : i32
    %ne3A_14 = arith.constant 0 : i32
    %ne3A_15 = arith.cmpi ne, %rem3A, %ne3A_14 : i32
    %and3A = arith.andi %ne3A, %ne3A_15 : i1
    %sub3A = arith.constant 1 : i32
    %sub3A_16 = arith.subi %div3A, %sub3A : i32
    %select_n3A = arith.select %and3A, %sub3A_16, %div3A : i32
    %jit3A_17 = arith.constant 4 : i32
    %eq3A = arith.constant 0 : i32
    %eq3A_18 = arith.cmpi eq, %jit3A_17, %eq3A : i32
    %jit3A_19 = arith.constant 1 : i32
    %select_n3A_20 = arith.select %eq3A_18, %jit3A_19, %jit3A_17 : i32
    %rem3A_21 = arith.remsi %add3A, %select_n3A_20 : i32
    %ne3A_22 = arith.constant 0 : i32
    %ne3A_23 = arith.cmpi ne, %rem3A_21, %ne3A_22 : i32
    %lt3A = arith.constant 0 : i32
    %lt3A_24 = arith.cmpi slt, %rem3A_21, %lt3A : i32
    %lt3A_25 = arith.constant 0 : i32
    %lt3A_26 = arith.cmpi slt, %select_n3A_20, %lt3A_25 : i32
    %ne3A_27 = arith.xori %lt3A_24, %lt3A_26 : i1
    %and3A_28 = arith.andi %ne3A_27, %ne3A_23 : i1
    %add3A_29 = arith.addi %rem3A_21, %select_n3A_20 : i32
    %select_n3A_30 = arith.select %and3A_28, %add3A_29, %rem3A_21 : i32
    %mul3A_31 = arith.constant 32 : i32
    %mul3A_32 = arith.muli %select_n3A_30, %mul3A_31 : i32
    %mul3A_33 = arith.constant 32 : i32
    %mul3A_34 = arith.muli %mul3A_33, %add3A : i32
    %get3A = arith.index_cast %select_n3A : i32 to index
    %get3A_35 = arith.index_cast %mul3A_32 : i32 to index
    %get3A_36 = tpu.vector_load %arg5[%get3A, %get3A_35] {strides = array<i32>} : memref<8x128xi32, #tpu.memory_space<vmem>>, vector<16xi32>,
    %add3A_37 = arith.constant 16 : i32
    %add3A_38 = arith.addi %mul3A_32, %add3A_37 : i32
    %get3A_39 = arith.index_cast %select_n3A : i32 to index
    %get3A_40 = arith.index_cast %add3A_38 : i32 to index
    %get3A_41 = tpu.vector_load %arg5[%get3A_39, %get3A_40] {strides = array<i32>} : memref<8x128xi32, #tpu.memory_space<vmem>>, vector<16xi32>,
    %dma_start3A = arith.constant 0 : i32
    %dma_start3A_42 = arith.constant 0 : i32
    %dma_start3A_43 = tpu.memref_slice %arg6[%dma_start3A, %dma_start3A_42] : memref<32x128xf32, #tpu.memory_space<vmem>> -> memref<16x128xf32, #tpu.memory_space<vmem>>
    %dma_start3A_44 = arith.constant 0 : i32
    %dma_start3A_45 = arith.constant 0 : i32
    %dma_start3A_46 = tpu.memref_slice %arg3[%dma_start3A_44, %dma_start3A_45] : memref<512x128xf32, #tpu.memory_space<hbm>> -> memref<512x128xf32, #tpu.memory_space<hbm>>
    tpu.enqueue_indirect_dma source(%dma_start3A_46 : memref<512x128xf32, #tpu.memory_space<hbm>>) target(%dma_start3A_43 : memref<16x128xf32, #tpu.memory_space<vmem>>) offsets(%get3A_36 : vector<16xi32>) semaphore(%arg7 : memref<!tpu.dma_semaphore, #tpu.memory_space<semaphore_mem>>)
    %dma_start3A_47 = arith.constant 16 : i32
    %dma_start3A_48 = arith.constant 0 : i32
    %dma_start3A_49 = tpu.memref_slice %arg6[%dma_start3A_47, %dma_start3A_48] : memref<32x128xf32, #tpu.memory_space<vmem>> -> memref<16x128xf32, #tpu.memory_space<vmem>>
    %dma_start3A_50 = arith.constant 0 : i32
    %dma_start3A_51 = arith.constant 0 : i32
    %dma_start3A_52 = tpu.memref_slice %arg3[%dma_start3A_50, %dma_start3A_51] : memref<512x128xf32, #tpu.memory_space<hbm>> -> memref<512x128xf32, #tpu.memory_space<hbm>>
    tpu.enqueue_indirect_dma source(%dma_start3A_52 : memref<512x128xf32, #tpu.memory_space<hbm>>) target(%dma_start3A_49 : memref<16x128xf32, #tpu.memory_space<vmem>>) offsets(%get3A_41 : vector<16xi32>) semaphore(%arg7 : memref<!tpu.dma_semaphore, #tpu.memory_space<semaphore_mem>>)
    %dma_wait3A = arith.constant 0 : i32
    %dma_wait3A_53 = arith.constant 0 : i32
    %dma_wait3A_54 = tpu.memref_slice %arg6[%dma_wait3A, %dma_wait3A_53] : memref<32x128xf32, #tpu.memory_space<vmem>> -> memref<16x128xf32, #tpu.memory_space<vmem>>
    %dma_wait3A_55 = arith.constant 0 : i32
    %dma_wait3A_56 = arith.constant 0 : i32
    %dma_wait3A_57 = tpu.memref_slice %arg3[%dma_wait3A_55, %dma_wait3A_56] : memref<512x128xf32, #tpu.memory_space<hbm>> -> memref<512x128xf32, #tpu.memory_space<hbm>>
    tpu.wait_indirect_dma semaphore(%arg7 : memref<!tpu.dma_semaphore, #tpu.memory_space<semaphore_mem>>) src(%dma_wait3A_57 : memref<512x128xf32, #tpu.memory_space<hbm>>) dst(%dma_wait3A_54 : memref<16x128xf32, #tpu.memory_space<vmem>>)
    %dma_start3A_58 = arith.constant 0 : i32
    %dma_start3A_59 = arith.constant 0 : i32
    %dma_start3A_60 = tpu.memref_slice %arg6[%dma_start3A_58, %dma_start3A_59] : memref<32x128xf32, #tpu.memory_space<vmem>> -> memref<16x128xf32, #tpu.memory_space<vmem>>
    %dma_start3A_61 = arith.constant 0 : i32
    %dma_start3A_62 = tpu.memref_slice %arg4[%mul3A_34, %dma_start3A_61] : memref<1024x128xf32, #tpu.memory_space<hbm>> -> memref<16x128xf32, #tpu.memory_space<hbm>>
    %dma_start3A_63 = arith.constant 0 : i32
    %dma_start3A_64 = tpu.memref_slice %arg4[%mul3A_34, %dma_start3A_63] : memref<1024x128xf32, #tpu.memory_space<hbm>> -> memref<16x128xf32, #tpu.memory_space<hbm>>
    %dma_start3A_65 = arith.constant 0 : i32
    %dma_start3A_66 = arith.constant 0 : i32
    %dma_start3A_67 = tpu.memref_slice %arg6[%dma_start3A_65, %dma_start3A_66] : memref<32x128xf32, #tpu.memory_space<vmem>> -> memref<16x128xf32, #tpu.memory_space<vmem>>
    tpu.enqueue_dma source(%dma_start3A_67 : memref<16x128xf32, #tpu.memory_space<vmem>>) target(%dma_start3A_64 : memref<16x128xf32, #tpu.memory_space<hbm>>) target_semaphore(%arg8 : memref<!tpu.dma_semaphore, #tpu.memory_space<semaphore_mem>>)
    %dma_wait3A_68 = arith.constant 16 : i32
    %dma_wait3A_69 = arith.constant 0 : i32
    %dma_wait3A_70 = tpu.memref_slice %arg6[%dma_wait3A_68, %dma_wait3A_69] : memref<32x128xf32, #tpu.memory_space<vmem>> -> memref<16x128xf32, #tpu.memory_space<vmem>>
    %dma_wait3A_71 = arith.constant 0 : i32
    %dma_wait3A_72 = arith.constant 0 : i32
    %dma_wait3A_73 = tpu.memref_slice %arg3[%dma_wait3A_71, %dma_wait3A_72] : memref<512x128xf32, #tpu.memory_space<hbm>> -> memref<512x128xf32, #tpu.memory_space<hbm>>
    tpu.wait_indirect_dma semaphore(%arg7 : memref<!tpu.dma_semaphore, #tpu.memory_space<semaphore_mem>>) src(%dma_wait3A_73 : memref<512x128xf32, #tpu.memory_space<hbm>>) dst(%dma_wait3A_70 : memref<16x128xf32, #tpu.memory_space<vmem>>)
    %add3A_74 = arith.constant 16 : i32
    %add3A_75 = arith.addi %mul3A_34, %add3A_74 : i32
    %dma_start3A_76 = arith.constant 16 : i32
    %dma_start3A_77 = arith.constant 0 : i32
    %dma_start3A_78 = tpu.memref_slice %arg6[%dma_start3A_76, %dma_start3A_77] : memref<32x128xf32, #tpu.memory_space<vmem>> -> memref<16x128xf32, #tpu.memory_space<vmem>>
    %dma_start3A_79 = arith.constant 0 : i32
    %dma_start3A_80 = tpu.memref_slice %arg4[%add3A_75, %dma_start3A_79] : memref<1024x128xf32, #tpu.memory_space<hbm>> -> memref<16x128xf32, #tpu.memory_space<hbm>>
    %dma_start3A_81 = arith.constant 0 : i32
    %dma_start3A_82 = tpu.memref_slice %arg4[%add3A_75, %dma_start3A_81] : memref<1024x128xf32, #tpu.memory_space<hbm>> -> memref<16x128xf32, #tpu.memory_space<hbm>>
    %dma_start3A_83 = arith.constant 16 : i32
    %dma_start3A_84 = arith.constant 0 : i32
    %dma_start3A_85 = tpu.memref_slice %arg6[%dma_start3A_83, %dma_start3A_84] : memref<32x128xf32, #tpu.memory_space<vmem>> -> memref<16x128xf32, #tpu.memory_space<vmem>>
    tpu.enqueue_dma source(%dma_start3A_85 : memref<16x128xf32, #tpu.memory_space<vmem>>) target(%dma_start3A_82 : memref<16x128xf32, #tpu.memory_space<hbm>>) target_semaphore(%arg8 : memref<!tpu.dma_semaphore, #tpu.memory_space<semaphore_mem>>)
    %dma_wait3A_86 = arith.constant 0 : i32
    %dma_wait3A_87 = arith.constant 0 : i32
    %dma_wait3A_88 = tpu.memref_slice %arg6[%dma_wait3A_86, %dma_wait3A_87] : memref<32x128xf32, #tpu.memory_space<vmem>> -> memref<16x128xf32, #tpu.memory_space<vmem>>
    %dma_wait3A_89 = arith.constant 0 : i32
    %dma_wait3A_90 = tpu.memref_slice %arg4[%mul3A_34, %dma_wait3A_89] : memref<1024x128xf32, #tpu.memory_space<hbm>> -> memref<16x128xf32, #tpu.memory_space<hbm>>
    %dma_wait3A_91 = arith.constant 0 : i32
    %dma_wait3A_92 = tpu.memref_slice %arg4[%mul3A_34, %dma_wait3A_91] : memref<1024x128xf32, #tpu.memory_space<hbm>> -> memref<16x128xf32, #tpu.memory_space<hbm>>
    %dma_wait3A_93 = arith.constant 0 : i32
    %dma_wait3A_94 = arith.constant 0 : i32
    %dma_wait3A_95 = tpu.memref_slice %arg6[%dma_wait3A_93, %dma_wait3A_94] : memref<32x128xf32, #tpu.memory_space<vmem>> -> memref<16x128xf32, #tpu.memory_space<vmem>>
    tpu.wait_dma2 semaphore(%arg8 : memref<!tpu.dma_semaphore, #tpu.memory_space<semaphore_mem>>) src(%dma_wait3A_95 : memref<16x128xf32, #tpu.memory_space<vmem>>) dst(%dma_wait3A_92 : memref<16x128xf32, #tpu.memory_space<hbm>>)
    %dma_wait3A_96 = arith.constant 16 : i32
    %dma_wait3A_97 = arith.constant 0 : i32
    %dma_wait3A_98 = tpu.memref_slice %arg6[%dma_wait3A_96, %dma_wait3A_97] : memref<32x128xf32, #tpu.memory_space<vmem>> -> memref<16x128xf32, #tpu.memory_space<vmem>>
    %dma_wait3A_99 = arith.constant 0 : i32
    %dma_wait3A_100 = tpu.memref_slice %arg4[%add3A_75, %dma_wait3A_99] : memref<1024x128xf32, #tpu.memory_space<hbm>> -> memref<16x128xf32, #tpu.memory_space<hbm>>
    %dma_wait3A_101 = arith.constant 0 : i32
    %dma_wait3A_102 = tpu.memref_slice %arg4[%add3A_75, %dma_wait3A_101] : memref<1024x128xf32, #tpu.memory_space<hbm>> -> memref<16x128xf32, #tpu.memory_space<hbm>>
    %dma_wait3A_103 = arith.constant 16 : i32
    %dma_wait3A_104 = arith.constant 0 : i32
    %dma_wait3A_105 = tpu.memref_slice %arg6[%dma_wait3A_103, %dma_wait3A_104] : memref<32x128xf32, #tpu.memory_space<vmem>> -> memref<16x128xf32, #tpu.memory_space<vmem>>
    tpu.wait_dma2 semaphore(%arg8 : memref<!tpu.dma_semaphore, #tpu.memory_space<semaphore_mem>>) src(%dma_wait3A_105 : memref<16x128xf32, #tpu.memory_space<vmem>>) dst(%dma_wait3A_102 : memref<16x128xf32, #tpu.memory_space<hbm>>)
    return
  }
}

module attributes {stable_mosaic.version = 14 : i64} {
  func.func @_tc_distance_body(%arg0: memref<4x64x196xf32, #tpu.memory_space<vmem>>, %arg1: memref<512x64xf32, #tpu.memory_space<vmem>>, %arg2: memref<8x128xi32, #tpu.memory_space<vmem>>, %arg3: memref<4x196xf32, #tpu.memory_space<vmem>>, %arg4: memref<512x128xf32, #tpu.memory_space<vmem>>, %arg5: memref<1x1xf32, #tpu.memory_space<smem>>) attributes {dimension_semantics = [], scalar_prefetch = 0 : i64, scratch_operands = 0 : i64, tpu.core_type = #tpu.core_type<tc>} {
    %get3A = arith.constant 0 : index
    %get3A_0 = arith.constant 0 : index
    %get3A_1 = vector.load %arg1[%get3A, %get3A_0] : memref<512x64xf32, #tpu.memory_space<vmem>>, vector<512x64xf32>
    %broadcast_in_dim3A = arith.constant 0.000000e+00 : f32
    %broadcast_in_dim3A_2 = vector.broadcast %broadcast_in_dim3A : f32 to vector<512x64xf32>
    %concatenate3A = tpu.concatenate %get3A_1, %broadcast_in_dim3A_2 in 1 : vector<512x64xf32>, vector<512x64xf32> -> vector<512x128xf32>
    %swap3A = arith.constant 0 : index
    %swap3A_3 = arith.constant 0 : index
    %swap3A_4 = vector.load %arg4[%swap3A, %swap3A_3] : memref<512x128xf32, #tpu.memory_space<vmem>>, vector<512x128xf32>
    tpu.vector_store %arg4[%swap3A, %swap3A_3], %concatenate3A {strides = array<i32>} : memref<512x128xf32, #tpu.memory_space<vmem>>, vector<512x128xf32>,
    %iota3A = tpu.iota {dimensions = array<i32: 0>} : vector<512x196xi32>
    %broadcast_in_dim3A_5 = arith.constant 0 : i32
    %broadcast_in_dim3A_6 = vector.broadcast %broadcast_in_dim3A_5 : i32 to vector<1x60xi32>
    %get3A_7 = arith.constant 0 : index
    %get3A_8 = arith.constant 0 : index
    %get3A_9 = arith.constant 0 : index
    %get3A_10 = vector.load %arg0[%get3A_7, %get3A_8, %get3A_9] : memref<4x64x196xf32, #tpu.memory_space<vmem>>, vector<1x64x196xf32>
    %get3A_11 = vector.shape_cast %get3A_10 : vector<1x64x196xf32> to vector<64x196xf32>
    %mul3A = arith.mulf %get3A_1, %get3A_1 : vector<512x64xf32>
    %reduce_sum3A = arith.constant dense<0.000000e+00> : vector<512xf32>
    %reduce_sum3A_12 = vector.multi_reduction <add>, %mul3A, %reduce_sum3A [1] : vector<512x64xf32> to vector<512xf32>
    %broadcast_in_dim3A_13 = vector.shape_cast %reduce_sum3A_12 : vector<512xf32> to vector<512x1xf32>
    %mul3A_14 = arith.mulf %get3A_11, %get3A_11 : vector<64x196xf32>
    %reduce_sum3A_15 = arith.constant dense<0.000000e+00> : vector<196xf32>
    %reduce_sum3A_16 = vector.multi_reduction <add>, %mul3A_14, %reduce_sum3A_15 [0] : vector<64x196xf32> to vector<196xf32>
    %broadcast_in_dim3A_17 = vector.shape_cast %reduce_sum3A_16 : vector<196xf32> to vector<1x196xf32>
    %dot_general3A = arith.constant dense<0.000000e+00> : vector<512x196xf32>
    %dot_general3A_18 = tpu.matmul %get3A_1, %get3A_11, %dot_general3A {dimension_numbers = #tpu.dot_dimension_numbers<[1], [0], [0], [1], [0, 0, 1, 1], [], []>, precision = #tpu.contract_precision<fp32>, transpose_lhs_hint = false} : vector<512x64xf32>, vector<64x196xf32>, vector<512x196xf32> -> vector<512x196xf32>
    %mul3A_19 = arith.constant 2.000000e+00 : f32
    %mul3A_20 = vector.broadcast %mul3A_19 : f32 to vector<512x196xf32>
    %mul3A_21 = arith.mulf %mul3A_20, %dot_general3A_18 : vector<512x196xf32>
    %sub3A = vector.broadcast %broadcast_in_dim3A_13 : vector<512x1xf32> to vector<512x196xf32>
    %sub3A_22 = arith.subf %sub3A, %mul3A_21 : vector<512x196xf32>
    %add3A = vector.broadcast %broadcast_in_dim3A_17 : vector<1x196xf32> to vector<512x196xf32>
    %add3A_23 = arith.addf %sub3A_22, %add3A : vector<512x196xf32>
    %reduce_min3A = arith.constant dense<0x7F800000> : vector<196xf32>
    %reduce_min3A_24 = vector.multi_reduction <minimumf>, %add3A_23, %reduce_min3A [0] : vector<512x196xf32> to vector<196xf32>
    %broadcast_in_dim3A_25 = vector.shape_cast %reduce_min3A_24 : vector<196xf32> to vector<1x196xf32>
    %eq3A = vector.broadcast %broadcast_in_dim3A_25 : vector<1x196xf32> to vector<512x196xf32>
    %eq3A_26 = arith.cmpf oeq, %add3A_23, %eq3A : vector<512x196xf32>
    %jit3A = arith.constant 512 : i32
    %broadcast_in_dim3A_27 = vector.broadcast %jit3A : i32 to vector<512x196xi32>
    %select_n3A = arith.select %eq3A_26, %iota3A, %broadcast_in_dim3A_27 : vector<512x196xi1>, vector<512x196xi32>
    %reduce_min3A_28 = arith.constant dense<2147483647> : vector<196xi32>
    %reduce_min3A_29 = vector.multi_reduction <minsi>, %select_n3A, %reduce_min3A_28 [0] : vector<512x196xi32> to vector<196xi32>
    %broadcast_in_dim3A_30 = vector.shape_cast %reduce_min3A_29 : vector<196xi32> to vector<1x196xi32>
    %concatenate3A_31 = tpu.concatenate %broadcast_in_dim3A_30, %broadcast_in_dim3A_6 in 1 : vector<1x196xi32>, vector<1x60xi32> -> vector<1x256xi32>
    %reshape3A = vector.shape_cast %concatenate3A_31 : vector<1x256xi32> to vector<2x128xi32>
    %swap3A_32 = arith.constant 0 : index
    %swap3A_33 = arith.constant 0 : index
    %swap3A_34 = vector.load %arg2[%swap3A_32, %swap3A_33] : memref<8x128xi32, #tpu.memory_space<vmem>>, vector<2x128xi32>
    tpu.vector_store %arg2[%swap3A_32, %swap3A_33], %reshape3A {strides = array<i32>} : memref<8x128xi32, #tpu.memory_space<vmem>>, vector<2x128xi32>,
    %swap3A_35 = arith.constant 0 : index
    %swap3A_36 = arith.constant 0 : index
    %swap3A_37 = vector.load %arg3[%swap3A_35, %swap3A_36] : memref<4x196xf32, #tpu.memory_space<vmem>>, vector<1x196xf32>
    tpu.vector_store %arg3[%swap3A_35, %swap3A_36], %broadcast_in_dim3A_25 {strides = array<i32>} : memref<4x196xf32, #tpu.memory_space<vmem>>, vector<1x196xf32>,
    %reduce_sum3A_38 = vector.shape_cast %broadcast_in_dim3A_25 : vector<1x196xf32> to vector<1x1x196xf32>
    %reduce_sum3A_39 = arith.constant dense<0.000000e+00> : vector<1xf32>
    %reduce_sum3A_40 = vector.multi_reduction <add>, %reduce_sum3A_38, %reduce_sum3A_39 [1, 2] : vector<1x1x196xf32> to vector<1xf32>
    %reduce_sum3A_41 = vector.shape_cast %reduce_sum3A_40 : vector<1xf32> to vector<1x1x1xf32>
    %reduce_sum3A_42 = vector.extract %reduce_sum3A_41[0, 0, 0] : f32 from vector<1x1x1xf32>
    %add3A_43 = arith.constant 0.000000e+00 : f32
    %add3A_44 = arith.addf %add3A_43, %reduce_sum3A_42 : f32
    %get3A_45 = arith.constant 1 : index
    %get3A_46 = arith.constant 0 : index
    %get3A_47 = arith.constant 0 : index
    %get3A_48 = vector.load %arg0[%get3A_45, %get3A_46, %get3A_47] : memref<4x64x196xf32, #tpu.memory_space<vmem>>, vector<1x64x196xf32>
    %get3A_49 = vector.shape_cast %get3A_48 : vector<1x64x196xf32> to vector<64x196xf32>
    %mul3A_50 = arith.mulf %get3A_1, %get3A_1 : vector<512x64xf32>
    %reduce_sum3A_51 = arith.constant dense<0.000000e+00> : vector<512xf32>
    %reduce_sum3A_52 = vector.multi_reduction <add>, %mul3A_50, %reduce_sum3A_51 [1] : vector<512x64xf32> to vector<512xf32>
    %broadcast_in_dim3A_53 = vector.shape_cast %reduce_sum3A_52 : vector<512xf32> to vector<512x1xf32>
    %mul3A_54 = arith.mulf %get3A_49, %get3A_49 : vector<64x196xf32>
    %reduce_sum3A_55 = arith.constant dense<0.000000e+00> : vector<196xf32>
    %reduce_sum3A_56 = vector.multi_reduction <add>, %mul3A_54, %reduce_sum3A_55 [0] : vector<64x196xf32> to vector<196xf32>
    %broadcast_in_dim3A_57 = vector.shape_cast %reduce_sum3A_56 : vector<196xf32> to vector<1x196xf32>
    %dot_general3A_58 = arith.constant dense<0.000000e+00> : vector<512x196xf32>
    %dot_general3A_59 = tpu.matmul %get3A_1, %get3A_49, %dot_general3A_58 {dimension_numbers = #tpu.dot_dimension_numbers<[1], [0], [0], [1], [0, 0, 1, 1], [], []>, precision = #tpu.contract_precision<fp32>, transpose_lhs_hint = false} : vector<512x64xf32>, vector<64x196xf32>, vector<512x196xf32> -> vector<512x196xf32>
    %mul3A_60 = arith.constant 2.000000e+00 : f32
    %mul3A_61 = vector.broadcast %mul3A_60 : f32 to vector<512x196xf32>
    %mul3A_62 = arith.mulf %mul3A_61, %dot_general3A_59 : vector<512x196xf32>
    %sub3A_63 = vector.broadcast %broadcast_in_dim3A_53 : vector<512x1xf32> to vector<512x196xf32>
    %sub3A_64 = arith.subf %sub3A_63, %mul3A_62 : vector<512x196xf32>
    %add3A_65 = vector.broadcast %broadcast_in_dim3A_57 : vector<1x196xf32> to vector<512x196xf32>
    %add3A_66 = arith.addf %sub3A_64, %add3A_65 : vector<512x196xf32>
    %reduce_min3A_67 = arith.constant dense<0x7F800000> : vector<196xf32>
    %reduce_min3A_68 = vector.multi_reduction <minimumf>, %add3A_66, %reduce_min3A_67 [0] : vector<512x196xf32> to vector<196xf32>
    %broadcast_in_dim3A_69 = vector.shape_cast %reduce_min3A_68 : vector<196xf32> to vector<1x196xf32>
    %eq3A_70 = vector.broadcast %broadcast_in_dim3A_69 : vector<1x196xf32> to vector<512x196xf32>
    %eq3A_71 = arith.cmpf oeq, %add3A_66, %eq3A_70 : vector<512x196xf32>
    %jit3A_72 = arith.constant 512 : i32
    %broadcast_in_dim3A_73 = vector.broadcast %jit3A_72 : i32 to vector<512x196xi32>
    %select_n3A_74 = arith.select %eq3A_71, %iota3A, %broadcast_in_dim3A_73 : vector<512x196xi1>, vector<512x196xi32>
    %reduce_min3A_75 = arith.constant dense<2147483647> : vector<196xi32>
    %reduce_min3A_76 = vector.multi_reduction <minsi>, %select_n3A_74, %reduce_min3A_75 [0] : vector<512x196xi32> to vector<196xi32>
    %broadcast_in_dim3A_77 = vector.shape_cast %reduce_min3A_76 : vector<196xi32> to vector<1x196xi32>
    %concatenate3A_78 = tpu.concatenate %broadcast_in_dim3A_77, %broadcast_in_dim3A_6 in 1 : vector<1x196xi32>, vector<1x60xi32> -> vector<1x256xi32>
    %reshape3A_79 = vector.shape_cast %concatenate3A_78 : vector<1x256xi32> to vector<2x128xi32>
    %swap3A_80 = arith.constant 2 : index
    %swap3A_81 = arith.constant 0 : index
    %swap3A_82 = vector.load %arg2[%swap3A_80, %swap3A_81] : memref<8x128xi32, #tpu.memory_space<vmem>>, vector<2x128xi32>
    tpu.vector_store %arg2[%swap3A_80, %swap3A_81], %reshape3A_79 {strides = array<i32>} : memref<8x128xi32, #tpu.memory_space<vmem>>, vector<2x128xi32>,
    %swap3A_83 = arith.constant 1 : index
    %swap3A_84 = arith.constant 0 : index
    %swap3A_85 = vector.load %arg3[%swap3A_83, %swap3A_84] : memref<4x196xf32, #tpu.memory_space<vmem>>, vector<1x196xf32>
    tpu.vector_store %arg3[%swap3A_83, %swap3A_84], %broadcast_in_dim3A_69 {strides = array<i32>} : memref<4x196xf32, #tpu.memory_space<vmem>>, vector<1x196xf32>,
    %reduce_sum3A_86 = vector.shape_cast %broadcast_in_dim3A_69 : vector<1x196xf32> to vector<1x1x196xf32>
    %reduce_sum3A_87 = arith.constant dense<0.000000e+00> : vector<1xf32>
    %reduce_sum3A_88 = vector.multi_reduction <add>, %reduce_sum3A_86, %reduce_sum3A_87 [1, 2] : vector<1x1x196xf32> to vector<1xf32>
    %reduce_sum3A_89 = vector.shape_cast %reduce_sum3A_88 : vector<1xf32> to vector<1x1x1xf32>
    %reduce_sum3A_90 = vector.extract %reduce_sum3A_89[0, 0, 0] : f32 from vector<1x1x1xf32>
    %add3A_91 = arith.addf %add3A_44, %reduce_sum3A_90 : f32
    %get3A_92 = arith.constant 2 : index
    %get3A_93 = arith.constant 0 : index
    %get3A_94 = arith.constant 0 : index
    %get3A_95 = vector.load %arg0[%get3A_92, %get3A_93, %get3A_94] : memref<4x64x196xf32, #tpu.memory_space<vmem>>, vector<1x64x196xf32>
    %get3A_96 = vector.shape_cast %get3A_95 : vector<1x64x196xf32> to vector<64x196xf32>
    %mul3A_97 = arith.mulf %get3A_1, %get3A_1 : vector<512x64xf32>
    %reduce_sum3A_98 = arith.constant dense<0.000000e+00> : vector<512xf32>
    %reduce_sum3A_99 = vector.multi_reduction <add>, %mul3A_97, %reduce_sum3A_98 [1] : vector<512x64xf32> to vector<512xf32>
    %broadcast_in_dim3A_100 = vector.shape_cast %reduce_sum3A_99 : vector<512xf32> to vector<512x1xf32>
    %mul3A_101 = arith.mulf %get3A_96, %get3A_96 : vector<64x196xf32>
    %reduce_sum3A_102 = arith.constant dense<0.000000e+00> : vector<196xf32>
    %reduce_sum3A_103 = vector.multi_reduction <add>, %mul3A_101, %reduce_sum3A_102 [0] : vector<64x196xf32> to vector<196xf32>
    %broadcast_in_dim3A_104 = vector.shape_cast %reduce_sum3A_103 : vector<196xf32> to vector<1x196xf32>
    %dot_general3A_105 = arith.constant dense<0.000000e+00> : vector<512x196xf32>
    %dot_general3A_106 = tpu.matmul %get3A_1, %get3A_96, %dot_general3A_105 {dimension_numbers = #tpu.dot_dimension_numbers<[1], [0], [0], [1], [0, 0, 1, 1], [], []>, precision = #tpu.contract_precision<fp32>, transpose_lhs_hint = false} : vector<512x64xf32>, vector<64x196xf32>, vector<512x196xf32> -> vector<512x196xf32>
    %mul3A_107 = arith.constant 2.000000e+00 : f32
    %mul3A_108 = vector.broadcast %mul3A_107 : f32 to vector<512x196xf32>
    %mul3A_109 = arith.mulf %mul3A_108, %dot_general3A_106 : vector<512x196xf32>
    %sub3A_110 = vector.broadcast %broadcast_in_dim3A_100 : vector<512x1xf32> to vector<512x196xf32>
    %sub3A_111 = arith.subf %sub3A_110, %mul3A_109 : vector<512x196xf32>
    %add3A_112 = vector.broadcast %broadcast_in_dim3A_104 : vector<1x196xf32> to vector<512x196xf32>
    %add3A_113 = arith.addf %sub3A_111, %add3A_112 : vector<512x196xf32>
    %reduce_min3A_114 = arith.constant dense<0x7F800000> : vector<196xf32>
    %reduce_min3A_115 = vector.multi_reduction <minimumf>, %add3A_113, %reduce_min3A_114 [0] : vector<512x196xf32> to vector<196xf32>
    %broadcast_in_dim3A_116 = vector.shape_cast %reduce_min3A_115 : vector<196xf32> to vector<1x196xf32>
    %eq3A_117 = vector.broadcast %broadcast_in_dim3A_116 : vector<1x196xf32> to vector<512x196xf32>
    %eq3A_118 = arith.cmpf oeq, %add3A_113, %eq3A_117 : vector<512x196xf32>
    %jit3A_119 = arith.constant 512 : i32
    %broadcast_in_dim3A_120 = vector.broadcast %jit3A_119 : i32 to vector<512x196xi32>
    %select_n3A_121 = arith.select %eq3A_118, %iota3A, %broadcast_in_dim3A_120 : vector<512x196xi1>, vector<512x196xi32>
    %reduce_min3A_122 = arith.constant dense<2147483647> : vector<196xi32>
    %reduce_min3A_123 = vector.multi_reduction <minsi>, %select_n3A_121, %reduce_min3A_122 [0] : vector<512x196xi32> to vector<196xi32>
    %broadcast_in_dim3A_124 = vector.shape_cast %reduce_min3A_123 : vector<196xi32> to vector<1x196xi32>
    %concatenate3A_125 = tpu.concatenate %broadcast_in_dim3A_124, %broadcast_in_dim3A_6 in 1 : vector<1x196xi32>, vector<1x60xi32> -> vector<1x256xi32>
    %reshape3A_126 = vector.shape_cast %concatenate3A_125 : vector<1x256xi32> to vector<2x128xi32>
    %swap3A_127 = arith.constant 4 : index
    %swap3A_128 = arith.constant 0 : index
    %swap3A_129 = vector.load %arg2[%swap3A_127, %swap3A_128] : memref<8x128xi32, #tpu.memory_space<vmem>>, vector<2x128xi32>
    tpu.vector_store %arg2[%swap3A_127, %swap3A_128], %reshape3A_126 {strides = array<i32>} : memref<8x128xi32, #tpu.memory_space<vmem>>, vector<2x128xi32>,
    %swap3A_130 = arith.constant 2 : index
    %swap3A_131 = arith.constant 0 : index
    %swap3A_132 = vector.load %arg3[%swap3A_130, %swap3A_131] : memref<4x196xf32, #tpu.memory_space<vmem>>, vector<1x196xf32>
    tpu.vector_store %arg3[%swap3A_130, %swap3A_131], %broadcast_in_dim3A_116 {strides = array<i32>} : memref<4x196xf32, #tpu.memory_space<vmem>>, vector<1x196xf32>,
    %reduce_sum3A_133 = vector.shape_cast %broadcast_in_dim3A_116 : vector<1x196xf32> to vector<1x1x196xf32>
    %reduce_sum3A_134 = arith.constant dense<0.000000e+00> : vector<1xf32>
    %reduce_sum3A_135 = vector.multi_reduction <add>, %reduce_sum3A_133, %reduce_sum3A_134 [1, 2] : vector<1x1x196xf32> to vector<1xf32>
    %reduce_sum3A_136 = vector.shape_cast %reduce_sum3A_135 : vector<1xf32> to vector<1x1x1xf32>
    %reduce_sum3A_137 = vector.extract %reduce_sum3A_136[0, 0, 0] : f32 from vector<1x1x1xf32>
    %add3A_138 = arith.addf %add3A_91, %reduce_sum3A_137 : f32
    %get3A_139 = arith.constant 3 : index
    %get3A_140 = arith.constant 0 : index
    %get3A_141 = arith.constant 0 : index
    %get3A_142 = vector.load %arg0[%get3A_139, %get3A_140, %get3A_141] : memref<4x64x196xf32, #tpu.memory_space<vmem>>, vector<1x64x196xf32>
    %get3A_143 = vector.shape_cast %get3A_142 : vector<1x64x196xf32> to vector<64x196xf32>
    %mul3A_144 = arith.mulf %get3A_1, %get3A_1 : vector<512x64xf32>
    %reduce_sum3A_145 = arith.constant dense<0.000000e+00> : vector<512xf32>
    %reduce_sum3A_146 = vector.multi_reduction <add>, %mul3A_144, %reduce_sum3A_145 [1] : vector<512x64xf32> to vector<512xf32>
    %broadcast_in_dim3A_147 = vector.shape_cast %reduce_sum3A_146 : vector<512xf32> to vector<512x1xf32>
    %mul3A_148 = arith.mulf %get3A_143, %get3A_143 : vector<64x196xf32>
    %reduce_sum3A_149 = arith.constant dense<0.000000e+00> : vector<196xf32>
    %reduce_sum3A_150 = vector.multi_reduction <add>, %mul3A_148, %reduce_sum3A_149 [0] : vector<64x196xf32> to vector<196xf32>
    %broadcast_in_dim3A_151 = vector.shape_cast %reduce_sum3A_150 : vector<196xf32> to vector<1x196xf32>
    %dot_general3A_152 = arith.constant dense<0.000000e+00> : vector<512x196xf32>
    %dot_general3A_153 = tpu.matmul %get3A_1, %get3A_143, %dot_general3A_152 {dimension_numbers = #tpu.dot_dimension_numbers<[1], [0], [0], [1], [0, 0, 1, 1], [], []>, precision = #tpu.contract_precision<fp32>, transpose_lhs_hint = false} : vector<512x64xf32>, vector<64x196xf32>, vector<512x196xf32> -> vector<512x196xf32>
    %mul3A_154 = arith.constant 2.000000e+00 : f32
    %mul3A_155 = vector.broadcast %mul3A_154 : f32 to vector<512x196xf32>
    %mul3A_156 = arith.mulf %mul3A_155, %dot_general3A_153 : vector<512x196xf32>
    %sub3A_157 = vector.broadcast %broadcast_in_dim3A_147 : vector<512x1xf32> to vector<512x196xf32>
    %sub3A_158 = arith.subf %sub3A_157, %mul3A_156 : vector<512x196xf32>
    %add3A_159 = vector.broadcast %broadcast_in_dim3A_151 : vector<1x196xf32> to vector<512x196xf32>
    %add3A_160 = arith.addf %sub3A_158, %add3A_159 : vector<512x196xf32>
    %reduce_min3A_161 = arith.constant dense<0x7F800000> : vector<196xf32>
    %reduce_min3A_162 = vector.multi_reduction <minimumf>, %add3A_160, %reduce_min3A_161 [0] : vector<512x196xf32> to vector<196xf32>
    %broadcast_in_dim3A_163 = vector.shape_cast %reduce_min3A_162 : vector<196xf32> to vector<1x196xf32>
    %eq3A_164 = vector.broadcast %broadcast_in_dim3A_163 : vector<1x196xf32> to vector<512x196xf32>
    %eq3A_165 = arith.cmpf oeq, %add3A_160, %eq3A_164 : vector<512x196xf32>
    %jit3A_166 = arith.constant 512 : i32
    %broadcast_in_dim3A_167 = vector.broadcast %jit3A_166 : i32 to vector<512x196xi32>
    %select_n3A_168 = arith.select %eq3A_165, %iota3A, %broadcast_in_dim3A_167 : vector<512x196xi1>, vector<512x196xi32>
    %reduce_min3A_169 = arith.constant dense<2147483647> : vector<196xi32>
    %reduce_min3A_170 = vector.multi_reduction <minsi>, %select_n3A_168, %reduce_min3A_169 [0] : vector<512x196xi32> to vector<196xi32>
    %broadcast_in_dim3A_171 = vector.shape_cast %reduce_min3A_170 : vector<196xi32> to vector<1x196xi32>
    %concatenate3A_172 = tpu.concatenate %broadcast_in_dim3A_171, %broadcast_in_dim3A_6 in 1 : vector<1x196xi32>, vector<1x60xi32> -> vector<1x256xi32>
    %reshape3A_173 = vector.shape_cast %concatenate3A_172 : vector<1x256xi32> to vector<2x128xi32>
    %swap3A_174 = arith.constant 6 : index
    %swap3A_175 = arith.constant 0 : index
    %swap3A_176 = vector.load %arg2[%swap3A_174, %swap3A_175] : memref<8x128xi32, #tpu.memory_space<vmem>>, vector<2x128xi32>
    tpu.vector_store %arg2[%swap3A_174, %swap3A_175], %reshape3A_173 {strides = array<i32>} : memref<8x128xi32, #tpu.memory_space<vmem>>, vector<2x128xi32>,
    %swap3A_177 = arith.constant 3 : index
    %swap3A_178 = arith.constant 0 : index
    %swap3A_179 = vector.load %arg3[%swap3A_177, %swap3A_178] : memref<4x196xf32, #tpu.memory_space<vmem>>, vector<1x196xf32>
    tpu.vector_store %arg3[%swap3A_177, %swap3A_178], %broadcast_in_dim3A_163 {strides = array<i32>} : memref<4x196xf32, #tpu.memory_space<vmem>>, vector<1x196xf32>,
    %reduce_sum3A_180 = vector.shape_cast %broadcast_in_dim3A_163 : vector<1x196xf32> to vector<1x1x196xf32>
    %reduce_sum3A_181 = arith.constant dense<0.000000e+00> : vector<1xf32>
    %reduce_sum3A_182 = vector.multi_reduction <add>, %reduce_sum3A_180, %reduce_sum3A_181 [1, 2] : vector<1x1x196xf32> to vector<1xf32>
    %reduce_sum3A_183 = vector.shape_cast %reduce_sum3A_182 : vector<1xf32> to vector<1x1x1xf32>
    %reduce_sum3A_184 = vector.extract %reduce_sum3A_183[0, 0, 0] : f32 from vector<1x1x1xf32>
    %add3A_185 = arith.addf %add3A_138, %reduce_sum3A_184 : f32
    %div3A = arith.constant 5.017600e+04 : f32
    %div3A_186 = arith.divf %add3A_185, %div3A : f32
    %swap3A_187 = arith.constant 0 : index
    %swap3A_188 = arith.constant 0 : index
    %swap3A_189 = memref.load %arg5[%swap3A_187, %swap3A_188] : memref<1x1xf32, #tpu.memory_space<smem>>
    memref.store %div3A_186, %arg5[%swap3A_187, %swap3A_188] : memref<1x1xf32, #tpu.memory_space<smem>>
    return
  }
}

module attributes {stable_mosaic.version = 14 : i64} {
  func.func @_tc_loss_body(%arg0: memref<4x64x196xf32, #tpu.memory_space<vmem>>, %arg1: memref<512x64xf32, #tpu.memory_space<vmem>>, %arg2: memref<4x196xf32, #tpu.memory_space<vmem>>, %arg3: memref<1x1xf32, #tpu.memory_space<smem>>) attributes {dimension_semantics = [], scalar_prefetch = 0 : i64, scratch_operands = 0 : i64, tpu.core_type = #tpu.core_type<tc>} {
    %get3A = arith.constant 0 : index
    %get3A_0 = arith.constant 0 : index
    %get3A_1 = vector.load %arg1[%get3A, %get3A_0] : memref<512x64xf32, #tpu.memory_space<vmem>>, vector<512x64xf32>
    %get3A_2 = arith.constant 0 : index
    %get3A_3 = arith.constant 0 : index
    %get3A_4 = arith.constant 0 : index
    %get3A_5 = vector.load %arg0[%get3A_2, %get3A_3, %get3A_4] : memref<4x64x196xf32, #tpu.memory_space<vmem>>, vector<1x64x196xf32>
    %get3A_6 = vector.shape_cast %get3A_5 : vector<1x64x196xf32> to vector<64x196xf32>
    %mul3A = arith.mulf %get3A_1, %get3A_1 : vector<512x64xf32>
    %reduce_sum3A = arith.constant dense<0.000000e+00> : vector<512xf32>
    %reduce_sum3A_7 = vector.multi_reduction <add>, %mul3A, %reduce_sum3A [1] : vector<512x64xf32> to vector<512xf32>
    %broadcast_in_dim3A = vector.shape_cast %reduce_sum3A_7 : vector<512xf32> to vector<512x1xf32>
    %mul3A_8 = arith.mulf %get3A_6, %get3A_6 : vector<64x196xf32>
    %reduce_sum3A_9 = arith.constant dense<0.000000e+00> : vector<196xf32>
    %reduce_sum3A_10 = vector.multi_reduction <add>, %mul3A_8, %reduce_sum3A_9 [0] : vector<64x196xf32> to vector<196xf32>
    %broadcast_in_dim3A_11 = vector.shape_cast %reduce_sum3A_10 : vector<196xf32> to vector<1x196xf32>
    %dot_general3A = arith.constant dense<0.000000e+00> : vector<512x196xf32>
    %dot_general3A_12 = tpu.matmul %get3A_1, %get3A_6, %dot_general3A {dimension_numbers = #tpu.dot_dimension_numbers<[1], [0], [0], [1], [0, 0, 1, 1], [], []>, precision = #tpu.contract_precision<fp32>, transpose_lhs_hint = false} : vector<512x64xf32>, vector<64x196xf32>, vector<512x196xf32> -> vector<512x196xf32>
    %mul3A_13 = arith.constant 2.000000e+00 : f32
    %mul3A_14 = vector.broadcast %mul3A_13 : f32 to vector<512x196xf32>
    %mul3A_15 = arith.mulf %mul3A_14, %dot_general3A_12 : vector<512x196xf32>
    %sub3A = vector.broadcast %broadcast_in_dim3A : vector<512x1xf32> to vector<512x196xf32>
    %sub3A_16 = arith.subf %sub3A, %mul3A_15 : vector<512x196xf32>
    %add3A = vector.broadcast %broadcast_in_dim3A_11 : vector<1x196xf32> to vector<512x196xf32>
    %add3A_17 = arith.addf %sub3A_16, %add3A : vector<512x196xf32>
    %get3A_18 = arith.constant 0 : index
    %get3A_19 = arith.constant 0 : index
    %get3A_20 = vector.load %arg2[%get3A_18, %get3A_19] : memref<4x196xf32, #tpu.memory_space<vmem>>, vector<1x196xf32>
    %reduce_sum3A_21 = vector.shape_cast %get3A_20 : vector<1x196xf32> to vector<1x1x196xf32>
    %reduce_sum3A_22 = arith.constant dense<0.000000e+00> : vector<1xf32>
    %reduce_sum3A_23 = vector.multi_reduction <add>, %reduce_sum3A_21, %reduce_sum3A_22 [1, 2] : vector<1x1x196xf32> to vector<1xf32>
    %reduce_sum3A_24 = vector.shape_cast %reduce_sum3A_23 : vector<1xf32> to vector<1x1x1xf32>
    %reduce_sum3A_25 = vector.extract %reduce_sum3A_24[0, 0, 0] : f32 from vector<1x1x1xf32>
    %mul3A_26 = arith.constant 1.000000e+00 : f32
    %mul3A_27 = arith.mulf %mul3A_26, %reduce_sum3A_25 : f32
    %add3A_28 = arith.constant 0.000000e+00 : f32
    %add3A_29 = arith.addf %add3A_28, %mul3A_27 : f32
    %gt3A = vector.broadcast %get3A_20 : vector<1x196xf32> to vector<512x196xf32>
    %gt3A_30 = arith.cmpf ogt, %add3A_17, %gt3A : vector<512x196xf32>
    %jit3A = arith.constant 3.000000e+38 : f32
    %broadcast_in_dim3A_31 = vector.broadcast %jit3A : f32 to vector<512x196xf32>
    %select_n3A = arith.select %gt3A_30, %add3A_17, %broadcast_in_dim3A_31 : vector<512x196xi1>, vector<512x196xf32>
    %reduce_min3A = arith.constant dense<0x7F800000> : vector<196xf32>
    %reduce_min3A_32 = vector.multi_reduction <minimumf>, %select_n3A, %reduce_min3A [0] : vector<512x196xf32> to vector<196xf32>
    %broadcast_in_dim3A_33 = vector.shape_cast %reduce_min3A_32 : vector<196xf32> to vector<1x196xf32>
    %reduce_sum3A_34 = vector.shape_cast %broadcast_in_dim3A_33 : vector<1x196xf32> to vector<1x1x196xf32>
    %reduce_sum3A_35 = arith.constant dense<0.000000e+00> : vector<1xf32>
    %reduce_sum3A_36 = vector.multi_reduction <add>, %reduce_sum3A_34, %reduce_sum3A_35 [1, 2] : vector<1x1x196xf32> to vector<1xf32>
    %reduce_sum3A_37 = vector.shape_cast %reduce_sum3A_36 : vector<1xf32> to vector<1x1x1xf32>
    %reduce_sum3A_38 = vector.extract %reduce_sum3A_37[0, 0, 0] : f32 from vector<1x1x1xf32>
    %mul3A_39 = arith.constant 0.36787945 : f32
    %mul3A_40 = arith.mulf %mul3A_39, %reduce_sum3A_38 : f32
    %add3A_41 = arith.addf %add3A_29, %mul3A_40 : f32
    %gt3A_42 = vector.broadcast %broadcast_in_dim3A_33 : vector<1x196xf32> to vector<512x196xf32>
    %gt3A_43 = arith.cmpf ogt, %add3A_17, %gt3A_42 : vector<512x196xf32>
    %jit3A_44 = arith.constant 3.000000e+38 : f32
    %broadcast_in_dim3A_45 = vector.broadcast %jit3A_44 : f32 to vector<512x196xf32>
    %select_n3A_46 = arith.select %gt3A_43, %add3A_17, %broadcast_in_dim3A_45 : vector<512x196xi1>, vector<512x196xf32>
    %reduce_min3A_47 = arith.constant dense<0x7F800000> : vector<196xf32>
    %reduce_min3A_48 = vector.multi_reduction <minimumf>, %select_n3A_46, %reduce_min3A_47 [0] : vector<512x196xf32> to vector<196xf32>
    %broadcast_in_dim3A_49 = vector.shape_cast %reduce_min3A_48 : vector<196xf32> to vector<1x196xf32>
    %reduce_sum3A_50 = vector.shape_cast %broadcast_in_dim3A_49 : vector<1x196xf32> to vector<1x1x196xf32>
    %reduce_sum3A_51 = arith.constant dense<0.000000e+00> : vector<1xf32>
    %reduce_sum3A_52 = vector.multi_reduction <add>, %reduce_sum3A_50, %reduce_sum3A_51 [1, 2] : vector<1x1x196xf32> to vector<1xf32>
    %reduce_sum3A_53 = vector.shape_cast %reduce_sum3A_52 : vector<1xf32> to vector<1x1x1xf32>
    %reduce_sum3A_54 = vector.extract %reduce_sum3A_53[0, 0, 0] : f32 from vector<1x1x1xf32>
    %mul3A_55 = arith.constant 0.135335281 : f32
    %mul3A_56 = arith.mulf %mul3A_55, %reduce_sum3A_54 : f32
    %add3A_57 = arith.addf %add3A_41, %mul3A_56 : f32
    %gt3A_58 = vector.broadcast %broadcast_in_dim3A_49 : vector<1x196xf32> to vector<512x196xf32>
    %gt3A_59 = arith.cmpf ogt, %add3A_17, %gt3A_58 : vector<512x196xf32>
    %jit3A_60 = arith.constant 3.000000e+38 : f32
    %broadcast_in_dim3A_61 = vector.broadcast %jit3A_60 : f32 to vector<512x196xf32>
    %select_n3A_62 = arith.select %gt3A_59, %add3A_17, %broadcast_in_dim3A_61 : vector<512x196xi1>, vector<512x196xf32>
    %reduce_min3A_63 = arith.constant dense<0x7F800000> : vector<196xf32>
    %reduce_min3A_64 = vector.multi_reduction <minimumf>, %select_n3A_62, %reduce_min3A_63 [0] : vector<512x196xf32> to vector<196xf32>
    %broadcast_in_dim3A_65 = vector.shape_cast %reduce_min3A_64 : vector<196xf32> to vector<1x196xf32>
    %reduce_sum3A_66 = vector.shape_cast %broadcast_in_dim3A_65 : vector<1x196xf32> to vector<1x1x196xf32>
    %reduce_sum3A_67 = arith.constant dense<0.000000e+00> : vector<1xf32>
    %reduce_sum3A_68 = vector.multi_reduction <add>, %reduce_sum3A_66, %reduce_sum3A_67 [1, 2] : vector<1x1x196xf32> to vector<1xf32>
    %reduce_sum3A_69 = vector.shape_cast %reduce_sum3A_68 : vector<1xf32> to vector<1x1x1xf32>
    %reduce_sum3A_70 = vector.extract %reduce_sum3A_69[0, 0, 0] : f32 from vector<1x1x1xf32>
    %mul3A_71 = arith.constant 0.0497870669 : f32
    %mul3A_72 = arith.mulf %mul3A_71, %reduce_sum3A_70 : f32
    %add3A_73 = arith.addf %add3A_57, %mul3A_72 : f32
    %gt3A_74 = vector.broadcast %broadcast_in_dim3A_65 : vector<1x196xf32> to vector<512x196xf32>
    %gt3A_75 = arith.cmpf ogt, %add3A_17, %gt3A_74 : vector<512x196xf32>
    %jit3A_76 = arith.constant 3.000000e+38 : f32
    %broadcast_in_dim3A_77 = vector.broadcast %jit3A_76 : f32 to vector<512x196xf32>
    %select_n3A_78 = arith.select %gt3A_75, %add3A_17, %broadcast_in_dim3A_77 : vector<512x196xi1>, vector<512x196xf32>
    %reduce_min3A_79 = arith.constant dense<0x7F800000> : vector<196xf32>
    %reduce_min3A_80 = vector.multi_reduction <minimumf>, %select_n3A_78, %reduce_min3A_79 [0] : vector<512x196xf32> to vector<196xf32>
    %broadcast_in_dim3A_81 = vector.shape_cast %reduce_min3A_80 : vector<196xf32> to vector<1x196xf32>
    %reduce_sum3A_82 = vector.shape_cast %broadcast_in_dim3A_81 : vector<1x196xf32> to vector<1x1x196xf32>
    %reduce_sum3A_83 = arith.constant dense<0.000000e+00> : vector<1xf32>
    %reduce_sum3A_84 = vector.multi_reduction <add>, %reduce_sum3A_82, %reduce_sum3A_83 [1, 2] : vector<1x1x196xf32> to vector<1xf32>
    %reduce_sum3A_85 = vector.shape_cast %reduce_sum3A_84 : vector<1xf32> to vector<1x1x1xf32>
    %reduce_sum3A_86 = vector.extract %reduce_sum3A_85[0, 0, 0] : f32 from vector<1x1x1xf32>
    %mul3A_87 = arith.constant 0.0183156393 : f32
    %mul3A_88 = arith.mulf %mul3A_87, %reduce_sum3A_86 : f32
    %add3A_89 = arith.addf %add3A_73, %mul3A_88 : f32
    %gt3A_90 = vector.broadcast %broadcast_in_dim3A_81 : vector<1x196xf32> to vector<512x196xf32>
    %gt3A_91 = arith.cmpf ogt, %add3A_17, %gt3A_90 : vector<512x196xf32>
    %jit3A_92 = arith.constant 3.000000e+38 : f32
    %broadcast_in_dim3A_93 = vector.broadcast %jit3A_92 : f32 to vector<512x196xf32>
    %select_n3A_94 = arith.select %gt3A_91, %add3A_17, %broadcast_in_dim3A_93 : vector<512x196xi1>, vector<512x196xf32>
    %reduce_min3A_95 = arith.constant dense<0x7F800000> : vector<196xf32>
    %reduce_min3A_96 = vector.multi_reduction <minimumf>, %select_n3A_94, %reduce_min3A_95 [0] : vector<512x196xf32> to vector<196xf32>
    %broadcast_in_dim3A_97 = vector.shape_cast %reduce_min3A_96 : vector<196xf32> to vector<1x196xf32>
    %reduce_sum3A_98 = vector.shape_cast %broadcast_in_dim3A_97 : vector<1x196xf32> to vector<1x1x196xf32>
    %reduce_sum3A_99 = arith.constant dense<0.000000e+00> : vector<1xf32>
    %reduce_sum3A_100 = vector.multi_reduction <add>, %reduce_sum3A_98, %reduce_sum3A_99 [1, 2] : vector<1x1x196xf32> to vector<1xf32>
    %reduce_sum3A_101 = vector.shape_cast %reduce_sum3A_100 : vector<1xf32> to vector<1x1x1xf32>
    %reduce_sum3A_102 = vector.extract %reduce_sum3A_101[0, 0, 0] : f32 from vector<1x1x1xf32>
    %mul3A_103 = arith.constant 0.006737947 : f32
    %mul3A_104 = arith.mulf %mul3A_103, %reduce_sum3A_102 : f32
    %add3A_105 = arith.addf %add3A_89, %mul3A_104 : f32
    %gt3A_106 = vector.broadcast %broadcast_in_dim3A_97 : vector<1x196xf32> to vector<512x196xf32>
    %gt3A_107 = arith.cmpf ogt, %add3A_17, %gt3A_106 : vector<512x196xf32>
    %jit3A_108 = arith.constant 3.000000e+38 : f32
    %broadcast_in_dim3A_109 = vector.broadcast %jit3A_108 : f32 to vector<512x196xf32>
    %select_n3A_110 = arith.select %gt3A_107, %add3A_17, %broadcast_in_dim3A_109 : vector<512x196xi1>, vector<512x196xf32>
    %reduce_min3A_111 = arith.constant dense<0x7F800000> : vector<196xf32>
    %reduce_min3A_112 = vector.multi_reduction <minimumf>, %select_n3A_110, %reduce_min3A_111 [0] : vector<512x196xf32> to vector<196xf32>
    %broadcast_in_dim3A_113 = vector.shape_cast %reduce_min3A_112 : vector<196xf32> to vector<1x196xf32>
    %reduce_sum3A_114 = vector.shape_cast %broadcast_in_dim3A_113 : vector<1x196xf32> to vector<1x1x196xf32>
    %reduce_sum3A_115 = arith.constant dense<0.000000e+00> : vector<1xf32>
    %reduce_sum3A_116 = vector.multi_reduction <add>, %reduce_sum3A_114, %reduce_sum3A_115 [1, 2] : vector<1x1x196xf32> to vector<1xf32>
    %reduce_sum3A_117 = vector.shape_cast %reduce_sum3A_116 : vector<1xf32> to vector<1x1x1xf32>
    %reduce_sum3A_118 = vector.extract %reduce_sum3A_117[0, 0, 0] : f32 from vector<1x1x1xf32>
    %mul3A_119 = arith.constant 0.00247875229 : f32
    %mul3A_120 = arith.mulf %mul3A_119, %reduce_sum3A_118 : f32
    %add3A_121 = arith.addf %add3A_105, %mul3A_120 : f32
    %gt3A_122 = vector.broadcast %broadcast_in_dim3A_113 : vector<1x196xf32> to vector<512x196xf32>
    %gt3A_123 = arith.cmpf ogt, %add3A_17, %gt3A_122 : vector<512x196xf32>
    %jit3A_124 = arith.constant 3.000000e+38 : f32
    %broadcast_in_dim3A_125 = vector.broadcast %jit3A_124 : f32 to vector<512x196xf32>
    %select_n3A_126 = arith.select %gt3A_123, %add3A_17, %broadcast_in_dim3A_125 : vector<512x196xi1>, vector<512x196xf32>
    %reduce_min3A_127 = arith.constant dense<0x7F800000> : vector<196xf32>
    %reduce_min3A_128 = vector.multi_reduction <minimumf>, %select_n3A_126, %reduce_min3A_127 [0] : vector<512x196xf32> to vector<196xf32>
    %broadcast_in_dim3A_129 = vector.shape_cast %reduce_min3A_128 : vector<196xf32> to vector<1x196xf32>
    %reduce_sum3A_130 = vector.shape_cast %broadcast_in_dim3A_129 : vector<1x196xf32> to vector<1x1x196xf32>
    %reduce_sum3A_131 = arith.constant dense<0.000000e+00> : vector<1xf32>
    %reduce_sum3A_132 = vector.multi_reduction <add>, %reduce_sum3A_130, %reduce_sum3A_131 [1, 2] : vector<1x1x196xf32> to vector<1xf32>
    %reduce_sum3A_133 = vector.shape_cast %reduce_sum3A_132 : vector<1xf32> to vector<1x1x1xf32>
    %reduce_sum3A_134 = vector.extract %reduce_sum3A_133[0, 0, 0] : f32 from vector<1x1x1xf32>
    %mul3A_135 = arith.constant 9.118820e-04 : f32
    %mul3A_136 = arith.mulf %mul3A_135, %reduce_sum3A_134 : f32
    %add3A_137 = arith.addf %add3A_121, %mul3A_136 : f32
    %gt3A_138 = vector.broadcast %broadcast_in_dim3A_129 : vector<1x196xf32> to vector<512x196xf32>
    %gt3A_139 = arith.cmpf ogt, %add3A_17, %gt3A_138 : vector<512x196xf32>
    %jit3A_140 = arith.constant 3.000000e+38 : f32
    %broadcast_in_dim3A_141 = vector.broadcast %jit3A_140 : f32 to vector<512x196xf32>
    %select_n3A_142 = arith.select %gt3A_139, %add3A_17, %broadcast_in_dim3A_141 : vector<512x196xi1>, vector<512x196xf32>
    %reduce_min3A_143 = arith.constant dense<0x7F800000> : vector<196xf32>
    %reduce_min3A_144 = vector.multi_reduction <minimumf>, %select_n3A_142, %reduce_min3A_143 [0] : vector<512x196xf32> to vector<196xf32>
    %broadcast_in_dim3A_145 = vector.shape_cast %reduce_min3A_144 : vector<196xf32> to vector<1x196xf32>
    %reduce_sum3A_146 = vector.shape_cast %broadcast_in_dim3A_145 : vector<1x196xf32> to vector<1x1x196xf32>
    %reduce_sum3A_147 = arith.constant dense<0.000000e+00> : vector<1xf32>
    %reduce_sum3A_148 = vector.multi_reduction <add>, %reduce_sum3A_146, %reduce_sum3A_147 [1, 2] : vector<1x1x196xf32> to vector<1xf32>
    %reduce_sum3A_149 = vector.shape_cast %reduce_sum3A_148 : vector<1xf32> to vector<1x1x1xf32>
    %reduce_sum3A_150 = vector.extract %reduce_sum3A_149[0, 0, 0] : f32 from vector<1x1x1xf32>
    %mul3A_151 = arith.constant 3.35462624E-4 : f32
    %mul3A_152 = arith.mulf %mul3A_151, %reduce_sum3A_150 : f32
    %add3A_153 = arith.addf %add3A_137, %mul3A_152 : f32
    %gt3A_154 = vector.broadcast %broadcast_in_dim3A_145 : vector<1x196xf32> to vector<512x196xf32>
    %gt3A_155 = arith.cmpf ogt, %add3A_17, %gt3A_154 : vector<512x196xf32>
    %jit3A_156 = arith.constant 3.000000e+38 : f32
    %broadcast_in_dim3A_157 = vector.broadcast %jit3A_156 : f32 to vector<512x196xf32>
    %select_n3A_158 = arith.select %gt3A_155, %add3A_17, %broadcast_in_dim3A_157 : vector<512x196xi1>, vector<512x196xf32>
    %reduce_min3A_159 = arith.constant dense<0x7F800000> : vector<196xf32>
    %reduce_min3A_160 = vector.multi_reduction <minimumf>, %select_n3A_158, %reduce_min3A_159 [0] : vector<512x196xf32> to vector<196xf32>
    %broadcast_in_dim3A_161 = vector.shape_cast %reduce_min3A_160 : vector<196xf32> to vector<1x196xf32>
    %reduce_sum3A_162 = vector.shape_cast %broadcast_in_dim3A_161 : vector<1x196xf32> to vector<1x1x196xf32>
    %reduce_sum3A_163 = arith.constant dense<0.000000e+00> : vector<1xf32>
    %reduce_sum3A_164 = vector.multi_reduction <add>, %reduce_sum3A_162, %reduce_sum3A_163 [1, 2] : vector<1x1x196xf32> to vector<1xf32>
    %reduce_sum3A_165 = vector.shape_cast %reduce_sum3A_164 : vector<1xf32> to vector<1x1x1xf32>
    %reduce_sum3A_166 = vector.extract %reduce_sum3A_165[0, 0, 0] : f32 from vector<1x1x1xf32>
    %mul3A_167 = arith.constant 1.23409802E-4 : f32
    %mul3A_168 = arith.mulf %mul3A_167, %reduce_sum3A_166 : f32
    %add3A_169 = arith.addf %add3A_153, %mul3A_168 : f32
    %gt3A_170 = vector.broadcast %broadcast_in_dim3A_161 : vector<1x196xf32> to vector<512x196xf32>
    %gt3A_171 = arith.cmpf ogt, %add3A_17, %gt3A_170 : vector<512x196xf32>
    %jit3A_172 = arith.constant 3.000000e+38 : f32
    %broadcast_in_dim3A_173 = vector.broadcast %jit3A_172 : f32 to vector<512x196xf32>
    %select_n3A_174 = arith.select %gt3A_171, %add3A_17, %broadcast_in_dim3A_173 : vector<512x196xi1>, vector<512x196xf32>
    %reduce_min3A_175 = arith.constant dense<0x7F800000> : vector<196xf32>
    %reduce_min3A_176 = vector.multi_reduction <minimumf>, %select_n3A_174, %reduce_min3A_175 [0] : vector<512x196xf32> to vector<196xf32>
    %broadcast_in_dim3A_177 = vector.shape_cast %reduce_min3A_176 : vector<196xf32> to vector<1x196xf32>
    %reduce_sum3A_178 = vector.shape_cast %broadcast_in_dim3A_177 : vector<1x196xf32> to vector<1x1x196xf32>
    %reduce_sum3A_179 = arith.constant dense<0.000000e+00> : vector<1xf32>
    %reduce_sum3A_180 = vector.multi_reduction <add>, %reduce_sum3A_178, %reduce_sum3A_179 [1, 2] : vector<1x1x196xf32> to vector<1xf32>
    %reduce_sum3A_181 = vector.shape_cast %reduce_sum3A_180 : vector<1xf32> to vector<1x1x1xf32>
    %reduce_sum3A_182 = vector.extract %reduce_sum3A_181[0, 0, 0] : f32 from vector<1x1x1xf32>
    %mul3A_183 = arith.constant 4.5399931E-5 : f32
    %mul3A_184 = arith.mulf %mul3A_183, %reduce_sum3A_182 : f32
    %add3A_185 = arith.addf %add3A_169, %mul3A_184 : f32
    %gt3A_186 = vector.broadcast %broadcast_in_dim3A_177 : vector<1x196xf32> to vector<512x196xf32>
    %gt3A_187 = arith.cmpf ogt, %add3A_17, %gt3A_186 : vector<512x196xf32>
    %jit3A_188 = arith.constant 3.000000e+38 : f32
    %broadcast_in_dim3A_189 = vector.broadcast %jit3A_188 : f32 to vector<512x196xf32>
    %select_n3A_190 = arith.select %gt3A_187, %add3A_17, %broadcast_in_dim3A_189 : vector<512x196xi1>, vector<512x196xf32>
    %reduce_min3A_191 = arith.constant dense<0x7F800000> : vector<196xf32>
    %reduce_min3A_192 = vector.multi_reduction <minimumf>, %select_n3A_190, %reduce_min3A_191 [0] : vector<512x196xf32> to vector<196xf32>
    %broadcast_in_dim3A_193 = vector.shape_cast %reduce_min3A_192 : vector<196xf32> to vector<1x196xf32>
    %reduce_sum3A_194 = vector.shape_cast %broadcast_in_dim3A_193 : vector<1x196xf32> to vector<1x1x196xf32>
    %reduce_sum3A_195 = arith.constant dense<0.000000e+00> : vector<1xf32>
    %reduce_sum3A_196 = vector.multi_reduction <add>, %reduce_sum3A_194, %reduce_sum3A_195 [1, 2] : vector<1x1x196xf32> to vector<1xf32>
    %reduce_sum3A_197 = vector.shape_cast %reduce_sum3A_196 : vector<1xf32> to vector<1x1x1xf32>
    %reduce_sum3A_198 = vector.extract %reduce_sum3A_197[0, 0, 0] : f32 from vector<1x1x1xf32>
    %mul3A_199 = arith.constant 1.670170e-05 : f32
    %mul3A_200 = arith.mulf %mul3A_199, %reduce_sum3A_198 : f32
    %add3A_201 = arith.addf %add3A_185, %mul3A_200 : f32
    %get3A_202 = arith.constant 1 : index
    %get3A_203 = arith.constant 0 : index
    %get3A_204 = arith.constant 0 : index
    %get3A_205 = vector.load %arg0[%get3A_202, %get3A_203, %get3A_204] : memref<4x64x196xf32, #tpu.memory_space<vmem>>, vector<1x64x196xf32>
    %get3A_206 = vector.shape_cast %get3A_205 : vector<1x64x196xf32> to vector<64x196xf32>
    %mul3A_207 = arith.mulf %get3A_1, %get3A_1 : vector<512x64xf32>
    %reduce_sum3A_208 = arith.constant dense<0.000000e+00> : vector<512xf32>
    %reduce_sum3A_209 = vector.multi_reduction <add>, %mul3A_207, %reduce_sum3A_208 [1] : vector<512x64xf32> to vector<512xf32>
    %broadcast_in_dim3A_210 = vector.shape_cast %reduce_sum3A_209 : vector<512xf32> to vector<512x1xf32>
    %mul3A_211 = arith.mulf %get3A_206, %get3A_206 : vector<64x196xf32>
    %reduce_sum3A_212 = arith.constant dense<0.000000e+00> : vector<196xf32>
    %reduce_sum3A_213 = vector.multi_reduction <add>, %mul3A_211, %reduce_sum3A_212 [0] : vector<64x196xf32> to vector<196xf32>
    %broadcast_in_dim3A_214 = vector.shape_cast %reduce_sum3A_213 : vector<196xf32> to vector<1x196xf32>
    %dot_general3A_215 = arith.constant dense<0.000000e+00> : vector<512x196xf32>
    %dot_general3A_216 = tpu.matmul %get3A_1, %get3A_206, %dot_general3A_215 {dimension_numbers = #tpu.dot_dimension_numbers<[1], [0], [0], [1], [0, 0, 1, 1], [], []>, precision = #tpu.contract_precision<fp32>, transpose_lhs_hint = false} : vector<512x64xf32>, vector<64x196xf32>, vector<512x196xf32> -> vector<512x196xf32>
    %mul3A_217 = arith.constant 2.000000e+00 : f32
    %mul3A_218 = vector.broadcast %mul3A_217 : f32 to vector<512x196xf32>
    %mul3A_219 = arith.mulf %mul3A_218, %dot_general3A_216 : vector<512x196xf32>
    %sub3A_220 = vector.broadcast %broadcast_in_dim3A_210 : vector<512x1xf32> to vector<512x196xf32>
    %sub3A_221 = arith.subf %sub3A_220, %mul3A_219 : vector<512x196xf32>
    %add3A_222 = vector.broadcast %broadcast_in_dim3A_214 : vector<1x196xf32> to vector<512x196xf32>
    %add3A_223 = arith.addf %sub3A_221, %add3A_222 : vector<512x196xf32>
    %get3A_224 = arith.constant 1 : index
    %get3A_225 = arith.constant 0 : index
    %get3A_226 = vector.load %arg2[%get3A_224, %get3A_225] : memref<4x196xf32, #tpu.memory_space<vmem>>, vector<1x196xf32>
    %reduce_sum3A_227 = vector.shape_cast %get3A_226 : vector<1x196xf32> to vector<1x1x196xf32>
    %reduce_sum3A_228 = arith.constant dense<0.000000e+00> : vector<1xf32>
    %reduce_sum3A_229 = vector.multi_reduction <add>, %reduce_sum3A_227, %reduce_sum3A_228 [1, 2] : vector<1x1x196xf32> to vector<1xf32>
    %reduce_sum3A_230 = vector.shape_cast %reduce_sum3A_229 : vector<1xf32> to vector<1x1x1xf32>
    %reduce_sum3A_231 = vector.extract %reduce_sum3A_230[0, 0, 0] : f32 from vector<1x1x1xf32>
    %mul3A_232 = arith.constant 1.000000e+00 : f32
    %mul3A_233 = arith.mulf %mul3A_232, %reduce_sum3A_231 : f32
    %add3A_234 = arith.addf %add3A_201, %mul3A_233 : f32
    %gt3A_235 = vector.broadcast %get3A_226 : vector<1x196xf32> to vector<512x196xf32>
    %gt3A_236 = arith.cmpf ogt, %add3A_223, %gt3A_235 : vector<512x196xf32>
    %jit3A_237 = arith.constant 3.000000e+38 : f32
    %broadcast_in_dim3A_238 = vector.broadcast %jit3A_237 : f32 to vector<512x196xf32>
    %select_n3A_239 = arith.select %gt3A_236, %add3A_223, %broadcast_in_dim3A_238 : vector<512x196xi1>, vector<512x196xf32>
    %reduce_min3A_240 = arith.constant dense<0x7F800000> : vector<196xf32>
    %reduce_min3A_241 = vector.multi_reduction <minimumf>, %select_n3A_239, %reduce_min3A_240 [0] : vector<512x196xf32> to vector<196xf32>
    %broadcast_in_dim3A_242 = vector.shape_cast %reduce_min3A_241 : vector<196xf32> to vector<1x196xf32>
    %reduce_sum3A_243 = vector.shape_cast %broadcast_in_dim3A_242 : vector<1x196xf32> to vector<1x1x196xf32>
    %reduce_sum3A_244 = arith.constant dense<0.000000e+00> : vector<1xf32>
    %reduce_sum3A_245 = vector.multi_reduction <add>, %reduce_sum3A_243, %reduce_sum3A_244 [1, 2] : vector<1x1x196xf32> to vector<1xf32>
    %reduce_sum3A_246 = vector.shape_cast %reduce_sum3A_245 : vector<1xf32> to vector<1x1x1xf32>
    %reduce_sum3A_247 = vector.extract %reduce_sum3A_246[0, 0, 0] : f32 from vector<1x1x1xf32>
    %mul3A_248 = arith.constant 0.36787945 : f32
    %mul3A_249 = arith.mulf %mul3A_248, %reduce_sum3A_247 : f32
    %add3A_250 = arith.addf %add3A_234, %mul3A_249 : f32
    %gt3A_251 = vector.broadcast %broadcast_in_dim3A_242 : vector<1x196xf32> to vector<512x196xf32>
    %gt3A_252 = arith.cmpf ogt, %add3A_223, %gt3A_251 : vector<512x196xf32>
    %jit3A_253 = arith.constant 3.000000e+38 : f32
    %broadcast_in_dim3A_254 = vector.broadcast %jit3A_253 : f32 to vector<512x196xf32>
    %select_n3A_255 = arith.select %gt3A_252, %add3A_223, %broadcast_in_dim3A_254 : vector<512x196xi1>, vector<512x196xf32>
    %reduce_min3A_256 = arith.constant dense<0x7F800000> : vector<196xf32>
    %reduce_min3A_257 = vector.multi_reduction <minimumf>, %select_n3A_255, %reduce_min3A_256 [0] : vector<512x196xf32> to vector<196xf32>
    %broadcast_in_dim3A_258 = vector.shape_cast %reduce_min3A_257 : vector<196xf32> to vector<1x196xf32>
    %reduce_sum3A_259 = vector.shape_cast %broadcast_in_dim3A_258 : vector<1x196xf32> to vector<1x1x196xf32>
    %reduce_sum3A_260 = arith.constant dense<0.000000e+00> : vector<1xf32>
    %reduce_sum3A_261 = vector.multi_reduction <add>, %reduce_sum3A_259, %reduce_sum3A_260 [1, 2] : vector<1x1x196xf32> to vector<1xf32>
    %reduce_sum3A_262 = vector.shape_cast %reduce_sum3A_261 : vector<1xf32> to vector<1x1x1xf32>
    %reduce_sum3A_263 = vector.extract %reduce_sum3A_262[0, 0, 0] : f32 from vector<1x1x1xf32>
    %mul3A_264 = arith.constant 0.135335281 : f32
    %mul3A_265 = arith.mulf %mul3A_264, %reduce_sum3A_263 : f32
    %add3A_266 = arith.addf %add3A_250, %mul3A_265 : f32
    %gt3A_267 = vector.broadcast %broadcast_in_dim3A_258 : vector<1x196xf32> to vector<512x196xf32>
    %gt3A_268 = arith.cmpf ogt, %add3A_223, %gt3A_267 : vector<512x196xf32>
    %jit3A_269 = arith.constant 3.000000e+38 : f32
    %broadcast_in_dim3A_270 = vector.broadcast %jit3A_269 : f32 to vector<512x196xf32>
    %select_n3A_271 = arith.select %gt3A_268, %add3A_223, %broadcast_in_dim3A_270 : vector<512x196xi1>, vector<512x196xf32>
    %reduce_min3A_272 = arith.constant dense<0x7F800000> : vector<196xf32>
    %reduce_min3A_273 = vector.multi_reduction <minimumf>, %select_n3A_271, %reduce_min3A_272 [0] : vector<512x196xf32> to vector<196xf32>
    %broadcast_in_dim3A_274 = vector.shape_cast %reduce_min3A_273 : vector<196xf32> to vector<1x196xf32>
    %reduce_sum3A_275 = vector.shape_cast %broadcast_in_dim3A_274 : vector<1x196xf32> to vector<1x1x196xf32>
    %reduce_sum3A_276 = arith.constant dense<0.000000e+00> : vector<1xf32>
    %reduce_sum3A_277 = vector.multi_reduction <add>, %reduce_sum3A_275, %reduce_sum3A_276 [1, 2] : vector<1x1x196xf32> to vector<1xf32>
    %reduce_sum3A_278 = vector.shape_cast %reduce_sum3A_277 : vector<1xf32> to vector<1x1x1xf32>
    %reduce_sum3A_279 = vector.extract %reduce_sum3A_278[0, 0, 0] : f32 from vector<1x1x1xf32>
    %mul3A_280 = arith.constant 0.0497870669 : f32
    %mul3A_281 = arith.mulf %mul3A_280, %reduce_sum3A_279 : f32
    %add3A_282 = arith.addf %add3A_266, %mul3A_281 : f32
    %gt3A_283 = vector.broadcast %broadcast_in_dim3A_274 : vector<1x196xf32> to vector<512x196xf32>
    %gt3A_284 = arith.cmpf ogt, %add3A_223, %gt3A_283 : vector<512x196xf32>
    %jit3A_285 = arith.constant 3.000000e+38 : f32
    %broadcast_in_dim3A_286 = vector.broadcast %jit3A_285 : f32 to vector<512x196xf32>
    %select_n3A_287 = arith.select %gt3A_284, %add3A_223, %broadcast_in_dim3A_286 : vector<512x196xi1>, vector<512x196xf32>
    %reduce_min3A_288 = arith.constant dense<0x7F800000> : vector<196xf32>
    %reduce_min3A_289 = vector.multi_reduction <minimumf>, %select_n3A_287, %reduce_min3A_288 [0] : vector<512x196xf32> to vector<196xf32>
    %broadcast_in_dim3A_290 = vector.shape_cast %reduce_min3A_289 : vector<196xf32> to vector<1x196xf32>
    %reduce_sum3A_291 = vector.shape_cast %broadcast_in_dim3A_290 : vector<1x196xf32> to vector<1x1x196xf32>
    %reduce_sum3A_292 = arith.constant dense<0.000000e+00> : vector<1xf32>
    %reduce_sum3A_293 = vector.multi_reduction <add>, %reduce_sum3A_291, %reduce_sum3A_292 [1, 2] : vector<1x1x196xf32> to vector<1xf32>
    %reduce_sum3A_294 = vector.shape_cast %reduce_sum3A_293 : vector<1xf32> to vector<1x1x1xf32>
    %reduce_sum3A_295 = vector.extract %reduce_sum3A_294[0, 0, 0] : f32 from vector<1x1x1xf32>
    %mul3A_296 = arith.constant 0.0183156393 : f32
    %mul3A_297 = arith.mulf %mul3A_296, %reduce_sum3A_295 : f32
    %add3A_298 = arith.addf %add3A_282, %mul3A_297 : f32
    %gt3A_299 = vector.broadcast %broadcast_in_dim3A_290 : vector<1x196xf32> to vector<512x196xf32>
    %gt3A_300 = arith.cmpf ogt, %add3A_223, %gt3A_299 : vector<512x196xf32>
    %jit3A_301 = arith.constant 3.000000e+38 : f32
    %broadcast_in_dim3A_302 = vector.broadcast %jit3A_301 : f32 to vector<512x196xf32>
    %select_n3A_303 = arith.select %gt3A_300, %add3A_223, %broadcast_in_dim3A_302 : vector<512x196xi1>, vector<512x196xf32>
    %reduce_min3A_304 = arith.constant dense<0x7F800000> : vector<196xf32>
    %reduce_min3A_305 = vector.multi_reduction <minimumf>, %select_n3A_303, %reduce_min3A_304 [0] : vector<512x196xf32> to vector<196xf32>
    %broadcast_in_dim3A_306 = vector.shape_cast %reduce_min3A_305 : vector<196xf32> to vector<1x196xf32>
    %reduce_sum3A_307 = vector.shape_cast %broadcast_in_dim3A_306 : vector<1x196xf32> to vector<1x1x196xf32>
    %reduce_sum3A_308 = arith.constant dense<0.000000e+00> : vector<1xf32>
    %reduce_sum3A_309 = vector.multi_reduction <add>, %reduce_sum3A_307, %reduce_sum3A_308 [1, 2] : vector<1x1x196xf32> to vector<1xf32>
    %reduce_sum3A_310 = vector.shape_cast %reduce_sum3A_309 : vector<1xf32> to vector<1x1x1xf32>
    %reduce_sum3A_311 = vector.extract %reduce_sum3A_310[0, 0, 0] : f32 from vector<1x1x1xf32>
    %mul3A_312 = arith.constant 0.006737947 : f32
    %mul3A_313 = arith.mulf %mul3A_312, %reduce_sum3A_311 : f32
    %add3A_314 = arith.addf %add3A_298, %mul3A_313 : f32
    %gt3A_315 = vector.broadcast %broadcast_in_dim3A_306 : vector<1x196xf32> to vector<512x196xf32>
    %gt3A_316 = arith.cmpf ogt, %add3A_223, %gt3A_315 : vector<512x196xf32>
    %jit3A_317 = arith.constant 3.000000e+38 : f32
    %broadcast_in_dim3A_318 = vector.broadcast %jit3A_317 : f32 to vector<512x196xf32>
    %select_n3A_319 = arith.select %gt3A_316, %add3A_223, %broadcast_in_dim3A_318 : vector<512x196xi1>, vector<512x196xf32>
    %reduce_min3A_320 = arith.constant dense<0x7F800000> : vector<196xf32>
    %reduce_min3A_321 = vector.multi_reduction <minimumf>, %select_n3A_319, %reduce_min3A_320 [0] : vector<512x196xf32> to vector<196xf32>
    %broadcast_in_dim3A_322 = vector.shape_cast %reduce_min3A_321 : vector<196xf32> to vector<1x196xf32>
    %reduce_sum3A_323 = vector.shape_cast %broadcast_in_dim3A_322 : vector<1x196xf32> to vector<1x1x196xf32>
    %reduce_sum3A_324 = arith.constant dense<0.000000e+00> : vector<1xf32>
    %reduce_sum3A_325 = vector.multi_reduction <add>, %reduce_sum3A_323, %reduce_sum3A_324 [1, 2] : vector<1x1x196xf32> to vector<1xf32>
    %reduce_sum3A_326 = vector.shape_cast %reduce_sum3A_325 : vector<1xf32> to vector<1x1x1xf32>
    %reduce_sum3A_327 = vector.extract %reduce_sum3A_326[0, 0, 0] : f32 from vector<1x1x1xf32>
    %mul3A_328 = arith.constant 0.00247875229 : f32
    %mul3A_329 = arith.mulf %mul3A_328, %reduce_sum3A_327 : f32
    %add3A_330 = arith.addf %add3A_314, %mul3A_329 : f32
    %gt3A_331 = vector.broadcast %broadcast_in_dim3A_322 : vector<1x196xf32> to vector<512x196xf32>
    %gt3A_332 = arith.cmpf ogt, %add3A_223, %gt3A_331 : vector<512x196xf32>
    %jit3A_333 = arith.constant 3.000000e+38 : f32
    %broadcast_in_dim3A_334 = vector.broadcast %jit3A_333 : f32 to vector<512x196xf32>
    %select_n3A_335 = arith.select %gt3A_332, %add3A_223, %broadcast_in_dim3A_334 : vector<512x196xi1>, vector<512x196xf32>
    %reduce_min3A_336 = arith.constant dense<0x7F800000> : vector<196xf32>
    %reduce_min3A_337 = vector.multi_reduction <minimumf>, %select_n3A_335, %reduce_min3A_336 [0] : vector<512x196xf32> to vector<196xf32>
    %broadcast_in_dim3A_338 = vector.shape_cast %reduce_min3A_337 : vector<196xf32> to vector<1x196xf32>
    %reduce_sum3A_339 = vector.shape_cast %broadcast_in_dim3A_338 : vector<1x196xf32> to vector<1x1x196xf32>
    %reduce_sum3A_340 = arith.constant dense<0.000000e+00> : vector<1xf32>
    %reduce_sum3A_341 = vector.multi_reduction <add>, %reduce_sum3A_339, %reduce_sum3A_340 [1, 2] : vector<1x1x196xf32> to vector<1xf32>
    %reduce_sum3A_342 = vector.shape_cast %reduce_sum3A_341 : vector<1xf32> to vector<1x1x1xf32>
    %reduce_sum3A_343 = vector.extract %reduce_sum3A_342[0, 0, 0] : f32 from vector<1x1x1xf32>
    %mul3A_344 = arith.constant 9.118820e-04 : f32
    %mul3A_345 = arith.mulf %mul3A_344, %reduce_sum3A_343 : f32
    %add3A_346 = arith.addf %add3A_330, %mul3A_345 : f32
    %gt3A_347 = vector.broadcast %broadcast_in_dim3A_338 : vector<1x196xf32> to vector<512x196xf32>
    %gt3A_348 = arith.cmpf ogt, %add3A_223, %gt3A_347 : vector<512x196xf32>
    %jit3A_349 = arith.constant 3.000000e+38 : f32
    %broadcast_in_dim3A_350 = vector.broadcast %jit3A_349 : f32 to vector<512x196xf32>
    %select_n3A_351 = arith.select %gt3A_348, %add3A_223, %broadcast_in_dim3A_350 : vector<512x196xi1>, vector<512x196xf32>
    %reduce_min3A_352 = arith.constant dense<0x7F800000> : vector<196xf32>
    %reduce_min3A_353 = vector.multi_reduction <minimumf>, %select_n3A_351, %reduce_min3A_352 [0] : vector<512x196xf32> to vector<196xf32>
    %broadcast_in_dim3A_354 = vector.shape_cast %reduce_min3A_353 : vector<196xf32> to vector<1x196xf32>
    %reduce_sum3A_355 = vector.shape_cast %broadcast_in_dim3A_354 : vector<1x196xf32> to vector<1x1x196xf32>
    %reduce_sum3A_356 = arith.constant dense<0.000000e+00> : vector<1xf32>
    %reduce_sum3A_357 = vector.multi_reduction <add>, %reduce_sum3A_355, %reduce_sum3A_356 [1, 2] : vector<1x1x196xf32> to vector<1xf32>
    %reduce_sum3A_358 = vector.shape_cast %reduce_sum3A_357 : vector<1xf32> to vector<1x1x1xf32>
    %reduce_sum3A_359 = vector.extract %reduce_sum3A_358[0, 0, 0] : f32 from vector<1x1x1xf32>
    %mul3A_360 = arith.constant 3.35462624E-4 : f32
    %mul3A_361 = arith.mulf %mul3A_360, %reduce_sum3A_359 : f32
    %add3A_362 = arith.addf %add3A_346, %mul3A_361 : f32
    %gt3A_363 = vector.broadcast %broadcast_in_dim3A_354 : vector<1x196xf32> to vector<512x196xf32>
    %gt3A_364 = arith.cmpf ogt, %add3A_223, %gt3A_363 : vector<512x196xf32>
    %jit3A_365 = arith.constant 3.000000e+38 : f32
    %broadcast_in_dim3A_366 = vector.broadcast %jit3A_365 : f32 to vector<512x196xf32>
    %select_n3A_367 = arith.select %gt3A_364, %add3A_223, %broadcast_in_dim3A_366 : vector<512x196xi1>, vector<512x196xf32>
    %reduce_min3A_368 = arith.constant dense<0x7F800000> : vector<196xf32>
    %reduce_min3A_369 = vector.multi_reduction <minimumf>, %select_n3A_367, %reduce_min3A_368 [0] : vector<512x196xf32> to vector<196xf32>
    %broadcast_in_dim3A_370 = vector.shape_cast %reduce_min3A_369 : vector<196xf32> to vector<1x196xf32>
    %reduce_sum3A_371 = vector.shape_cast %broadcast_in_dim3A_370 : vector<1x196xf32> to vector<1x1x196xf32>
    %reduce_sum3A_372 = arith.constant dense<0.000000e+00> : vector<1xf32>
    %reduce_sum3A_373 = vector.multi_reduction <add>, %reduce_sum3A_371, %reduce_sum3A_372 [1, 2] : vector<1x1x196xf32> to vector<1xf32>
    %reduce_sum3A_374 = vector.shape_cast %reduce_sum3A_373 : vector<1xf32> to vector<1x1x1xf32>
    %reduce_sum3A_375 = vector.extract %reduce_sum3A_374[0, 0, 0] : f32 from vector<1x1x1xf32>
    %mul3A_376 = arith.constant 1.23409802E-4 : f32
    %mul3A_377 = arith.mulf %mul3A_376, %reduce_sum3A_375 : f32
    %add3A_378 = arith.addf %add3A_362, %mul3A_377 : f32
    %gt3A_379 = vector.broadcast %broadcast_in_dim3A_370 : vector<1x196xf32> to vector<512x196xf32>
    %gt3A_380 = arith.cmpf ogt, %add3A_223, %gt3A_379 : vector<512x196xf32>
    %jit3A_381 = arith.constant 3.000000e+38 : f32
    %broadcast_in_dim3A_382 = vector.broadcast %jit3A_381 : f32 to vector<512x196xf32>
    %select_n3A_383 = arith.select %gt3A_380, %add3A_223, %broadcast_in_dim3A_382 : vector<512x196xi1>, vector<512x196xf32>
    %reduce_min3A_384 = arith.constant dense<0x7F800000> : vector<196xf32>
    %reduce_min3A_385 = vector.multi_reduction <minimumf>, %select_n3A_383, %reduce_min3A_384 [0] : vector<512x196xf32> to vector<196xf32>
    %broadcast_in_dim3A_386 = vector.shape_cast %reduce_min3A_385 : vector<196xf32> to vector<1x196xf32>
    %reduce_sum3A_387 = vector.shape_cast %broadcast_in_dim3A_386 : vector<1x196xf32> to vector<1x1x196xf32>
    %reduce_sum3A_388 = arith.constant dense<0.000000e+00> : vector<1xf32>
    %reduce_sum3A_389 = vector.multi_reduction <add>, %reduce_sum3A_387, %reduce_sum3A_388 [1, 2] : vector<1x1x196xf32> to vector<1xf32>
    %reduce_sum3A_390 = vector.shape_cast %reduce_sum3A_389 : vector<1xf32> to vector<1x1x1xf32>
    %reduce_sum3A_391 = vector.extract %reduce_sum3A_390[0, 0, 0] : f32 from vector<1x1x1xf32>
    %mul3A_392 = arith.constant 4.5399931E-5 : f32
    %mul3A_393 = arith.mulf %mul3A_392, %reduce_sum3A_391 : f32
    %add3A_394 = arith.addf %add3A_378, %mul3A_393 : f32
    %gt3A_395 = vector.broadcast %broadcast_in_dim3A_386 : vector<1x196xf32> to vector<512x196xf32>
    %gt3A_396 = arith.cmpf ogt, %add3A_223, %gt3A_395 : vector<512x196xf32>
    %jit3A_397 = arith.constant 3.000000e+38 : f32
    %broadcast_in_dim3A_398 = vector.broadcast %jit3A_397 : f32 to vector<512x196xf32>
    %select_n3A_399 = arith.select %gt3A_396, %add3A_223, %broadcast_in_dim3A_398 : vector<512x196xi1>, vector<512x196xf32>
    %reduce_min3A_400 = arith.constant dense<0x7F800000> : vector<196xf32>
    %reduce_min3A_401 = vector.multi_reduction <minimumf>, %select_n3A_399, %reduce_min3A_400 [0] : vector<512x196xf32> to vector<196xf32>
    %broadcast_in_dim3A_402 = vector.shape_cast %reduce_min3A_401 : vector<196xf32> to vector<1x196xf32>
    %reduce_sum3A_403 = vector.shape_cast %broadcast_in_dim3A_402 : vector<1x196xf32> to vector<1x1x196xf32>
    %reduce_sum3A_404 = arith.constant dense<0.000000e+00> : vector<1xf32>
    %reduce_sum3A_405 = vector.multi_reduction <add>, %reduce_sum3A_403, %reduce_sum3A_404 [1, 2] : vector<1x1x196xf32> to vector<1xf32>
    %reduce_sum3A_406 = vector.shape_cast %reduce_sum3A_405 : vector<1xf32> to vector<1x1x1xf32>
    %reduce_sum3A_407 = vector.extract %reduce_sum3A_406[0, 0, 0] : f32 from vector<1x1x1xf32>
    %mul3A_408 = arith.constant 1.670170e-05 : f32
    %mul3A_409 = arith.mulf %mul3A_408, %reduce_sum3A_407 : f32
    %add3A_410 = arith.addf %add3A_394, %mul3A_409 : f32
    %get3A_411 = arith.constant 2 : index
    %get3A_412 = arith.constant 0 : index
    %get3A_413 = arith.constant 0 : index
    %get3A_414 = vector.load %arg0[%get3A_411, %get3A_412, %get3A_413] : memref<4x64x196xf32, #tpu.memory_space<vmem>>, vector<1x64x196xf32>
    %get3A_415 = vector.shape_cast %get3A_414 : vector<1x64x196xf32> to vector<64x196xf32>
    %mul3A_416 = arith.mulf %get3A_1, %get3A_1 : vector<512x64xf32>
    %reduce_sum3A_417 = arith.constant dense<0.000000e+00> : vector<512xf32>
    %reduce_sum3A_418 = vector.multi_reduction <add>, %mul3A_416, %reduce_sum3A_417 [1] : vector<512x64xf32> to vector<512xf32>
    %broadcast_in_dim3A_419 = vector.shape_cast %reduce_sum3A_418 : vector<512xf32> to vector<512x1xf32>
    %mul3A_420 = arith.mulf %get3A_415, %get3A_415 : vector<64x196xf32>
    %reduce_sum3A_421 = arith.constant dense<0.000000e+00> : vector<196xf32>
    %reduce_sum3A_422 = vector.multi_reduction <add>, %mul3A_420, %reduce_sum3A_421 [0] : vector<64x196xf32> to vector<196xf32>
    %broadcast_in_dim3A_423 = vector.shape_cast %reduce_sum3A_422 : vector<196xf32> to vector<1x196xf32>
    %dot_general3A_424 = arith.constant dense<0.000000e+00> : vector<512x196xf32>
    %dot_general3A_425 = tpu.matmul %get3A_1, %get3A_415, %dot_general3A_424 {dimension_numbers = #tpu.dot_dimension_numbers<[1], [0], [0], [1], [0, 0, 1, 1], [], []>, precision = #tpu.contract_precision<fp32>, transpose_lhs_hint = false} : vector<512x64xf32>, vector<64x196xf32>, vector<512x196xf32> -> vector<512x196xf32>
    %mul3A_426 = arith.constant 2.000000e+00 : f32
    %mul3A_427 = vector.broadcast %mul3A_426 : f32 to vector<512x196xf32>
    %mul3A_428 = arith.mulf %mul3A_427, %dot_general3A_425 : vector<512x196xf32>
    %sub3A_429 = vector.broadcast %broadcast_in_dim3A_419 : vector<512x1xf32> to vector<512x196xf32>
    %sub3A_430 = arith.subf %sub3A_429, %mul3A_428 : vector<512x196xf32>
    %add3A_431 = vector.broadcast %broadcast_in_dim3A_423 : vector<1x196xf32> to vector<512x196xf32>
    %add3A_432 = arith.addf %sub3A_430, %add3A_431 : vector<512x196xf32>
    %get3A_433 = arith.constant 2 : index
    %get3A_434 = arith.constant 0 : index
    %get3A_435 = vector.load %arg2[%get3A_433, %get3A_434] : memref<4x196xf32, #tpu.memory_space<vmem>>, vector<1x196xf32>
    %reduce_sum3A_436 = vector.shape_cast %get3A_435 : vector<1x196xf32> to vector<1x1x196xf32>
    %reduce_sum3A_437 = arith.constant dense<0.000000e+00> : vector<1xf32>
    %reduce_sum3A_438 = vector.multi_reduction <add>, %reduce_sum3A_436, %reduce_sum3A_437 [1, 2] : vector<1x1x196xf32> to vector<1xf32>
    %reduce_sum3A_439 = vector.shape_cast %reduce_sum3A_438 : vector<1xf32> to vector<1x1x1xf32>
    %reduce_sum3A_440 = vector.extract %reduce_sum3A_439[0, 0, 0] : f32 from vector<1x1x1xf32>
    %mul3A_441 = arith.constant 1.000000e+00 : f32
    %mul3A_442 = arith.mulf %mul3A_441, %reduce_sum3A_440 : f32
    %add3A_443 = arith.addf %add3A_410, %mul3A_442 : f32
    %gt3A_444 = vector.broadcast %get3A_435 : vector<1x196xf32> to vector<512x196xf32>
    %gt3A_445 = arith.cmpf ogt, %add3A_432, %gt3A_444 : vector<512x196xf32>
    %jit3A_446 = arith.constant 3.000000e+38 : f32
    %broadcast_in_dim3A_447 = vector.broadcast %jit3A_446 : f32 to vector<512x196xf32>
    %select_n3A_448 = arith.select %gt3A_445, %add3A_432, %broadcast_in_dim3A_447 : vector<512x196xi1>, vector<512x196xf32>
    %reduce_min3A_449 = arith.constant dense<0x7F800000> : vector<196xf32>
    %reduce_min3A_450 = vector.multi_reduction <minimumf>, %select_n3A_448, %reduce_min3A_449 [0] : vector<512x196xf32> to vector<196xf32>
    %broadcast_in_dim3A_451 = vector.shape_cast %reduce_min3A_450 : vector<196xf32> to vector<1x196xf32>
    %reduce_sum3A_452 = vector.shape_cast %broadcast_in_dim3A_451 : vector<1x196xf32> to vector<1x1x196xf32>
    %reduce_sum3A_453 = arith.constant dense<0.000000e+00> : vector<1xf32>
    %reduce_sum3A_454 = vector.multi_reduction <add>, %reduce_sum3A_452, %reduce_sum3A_453 [1, 2] : vector<1x1x196xf32> to vector<1xf32>
    %reduce_sum3A_455 = vector.shape_cast %reduce_sum3A_454 : vector<1xf32> to vector<1x1x1xf32>
    %reduce_sum3A_456 = vector.extract %reduce_sum3A_455[0, 0, 0] : f32 from vector<1x1x1xf32>
    %mul3A_457 = arith.constant 0.36787945 : f32
    %mul3A_458 = arith.mulf %mul3A_457, %reduce_sum3A_456 : f32
    %add3A_459 = arith.addf %add3A_443, %mul3A_458 : f32
    %gt3A_460 = vector.broadcast %broadcast_in_dim3A_451 : vector<1x196xf32> to vector<512x196xf32>
    %gt3A_461 = arith.cmpf ogt, %add3A_432, %gt3A_460 : vector<512x196xf32>
    %jit3A_462 = arith.constant 3.000000e+38 : f32
    %broadcast_in_dim3A_463 = vector.broadcast %jit3A_462 : f32 to vector<512x196xf32>
    %select_n3A_464 = arith.select %gt3A_461, %add3A_432, %broadcast_in_dim3A_463 : vector<512x196xi1>, vector<512x196xf32>
    %reduce_min3A_465 = arith.constant dense<0x7F800000> : vector<196xf32>
    %reduce_min3A_466 = vector.multi_reduction <minimumf>, %select_n3A_464, %reduce_min3A_465 [0] : vector<512x196xf32> to vector<196xf32>
    %broadcast_in_dim3A_467 = vector.shape_cast %reduce_min3A_466 : vector<196xf32> to vector<1x196xf32>
    %reduce_sum3A_468 = vector.shape_cast %broadcast_in_dim3A_467 : vector<1x196xf32> to vector<1x1x196xf32>
    %reduce_sum3A_469 = arith.constant dense<0.000000e+00> : vector<1xf32>
    %reduce_sum3A_470 = vector.multi_reduction <add>, %reduce_sum3A_468, %reduce_sum3A_469 [1, 2] : vector<1x1x196xf32> to vector<1xf32>
    %reduce_sum3A_471 = vector.shape_cast %reduce_sum3A_470 : vector<1xf32> to vector<1x1x1xf32>
    %reduce_sum3A_472 = vector.extract %reduce_sum3A_471[0, 0, 0] : f32 from vector<1x1x1xf32>
    %mul3A_473 = arith.constant 0.135335281 : f32
    %mul3A_474 = arith.mulf %mul3A_473, %reduce_sum3A_472 : f32
    %add3A_475 = arith.addf %add3A_459, %mul3A_474 : f32
    %gt3A_476 = vector.broadcast %broadcast_in_dim3A_467 : vector<1x196xf32> to vector<512x196xf32>
    %gt3A_477 = arith.cmpf ogt, %add3A_432, %gt3A_476 : vector<512x196xf32>
    %jit3A_478 = arith.constant 3.000000e+38 : f32
    %broadcast_in_dim3A_479 = vector.broadcast %jit3A_478 : f32 to vector<512x196xf32>
    %select_n3A_480 = arith.select %gt3A_477, %add3A_432, %broadcast_in_dim3A_479 : vector<512x196xi1>, vector<512x196xf32>
    %reduce_min3A_481 = arith.constant dense<0x7F800000> : vector<196xf32>
    %reduce_min3A_482 = vector.multi_reduction <minimumf>, %select_n3A_480, %reduce_min3A_481 [0] : vector<512x196xf32> to vector<196xf32>
    %broadcast_in_dim3A_483 = vector.shape_cast %reduce_min3A_482 : vector<196xf32> to vector<1x196xf32>
    %reduce_sum3A_484 = vector.shape_cast %broadcast_in_dim3A_483 : vector<1x196xf32> to vector<1x1x196xf32>
    %reduce_sum3A_485 = arith.constant dense<0.000000e+00> : vector<1xf32>
    %reduce_sum3A_486 = vector.multi_reduction <add>, %reduce_sum3A_484, %reduce_sum3A_485 [1, 2] : vector<1x1x196xf32> to vector<1xf32>
    %reduce_sum3A_487 = vector.shape_cast %reduce_sum3A_486 : vector<1xf32> to vector<1x1x1xf32>
    %reduce_sum3A_488 = vector.extract %reduce_sum3A_487[0, 0, 0] : f32 from vector<1x1x1xf32>
    %mul3A_489 = arith.constant 0.0497870669 : f32
    %mul3A_490 = arith.mulf %mul3A_489, %reduce_sum3A_488 : f32
    %add3A_491 = arith.addf %add3A_475, %mul3A_490 : f32
    %gt3A_492 = vector.broadcast %broadcast_in_dim3A_483 : vector<1x196xf32> to vector<512x196xf32>
    %gt3A_493 = arith.cmpf ogt, %add3A_432, %gt3A_492 : vector<512x196xf32>
    %jit3A_494 = arith.constant 3.000000e+38 : f32
    %broadcast_in_dim3A_495 = vector.broadcast %jit3A_494 : f32 to vector<512x196xf32>
    %select_n3A_496 = arith.select %gt3A_493, %add3A_432, %broadcast_in_dim3A_495 : vector<512x196xi1>, vector<512x196xf32>
    %reduce_min3A_497 = arith.constant dense<0x7F800000> : vector<196xf32>
    %reduce_min3A_498 = vector.multi_reduction <minimumf>, %select_n3A_496, %reduce_min3A_497 [0] : vector<512x196xf32> to vector<196xf32>
    %broadcast_in_dim3A_499 = vector.shape_cast %reduce_min3A_498 : vector<196xf32> to vector<1x196xf32>
    %reduce_sum3A_500 = vector.shape_cast %broadcast_in_dim3A_499 : vector<1x196xf32> to vector<1x1x196xf32>
    %reduce_sum3A_501 = arith.constant dense<0.000000e+00> : vector<1xf32>
    %reduce_sum3A_502 = vector.multi_reduction <add>, %reduce_sum3A_500, %reduce_sum3A_501 [1, 2] : vector<1x1x196xf32> to vector<1xf32>
    %reduce_sum3A_503 = vector.shape_cast %reduce_sum3A_502 : vector<1xf32> to vector<1x1x1xf32>
    %reduce_sum3A_504 = vector.extract %reduce_sum3A_503[0, 0, 0] : f32 from vector<1x1x1xf32>
    %mul3A_505 = arith.constant 0.0183156393 : f32
    %mul3A_506 = arith.mulf %mul3A_505, %reduce_sum3A_504 : f32
    %add3A_507 = arith.addf %add3A_491, %mul3A_506 : f32
    %gt3A_508 = vector.broadcast %broadcast_in_dim3A_499 : vector<1x196xf32> to vector<512x196xf32>
    %gt3A_509 = arith.cmpf ogt, %add3A_432, %gt3A_508 : vector<512x196xf32>
    %jit3A_510 = arith.constant 3.000000e+38 : f32
    %broadcast_in_dim3A_511 = vector.broadcast %jit3A_510 : f32 to vector<512x196xf32>
    %select_n3A_512 = arith.select %gt3A_509, %add3A_432, %broadcast_in_dim3A_511 : vector<512x196xi1>, vector<512x196xf32>
    %reduce_min3A_513 = arith.constant dense<0x7F800000> : vector<196xf32>
    %reduce_min3A_514 = vector.multi_reduction <minimumf>, %select_n3A_512, %reduce_min3A_513 [0] : vector<512x196xf32> to vector<196xf32>
    %broadcast_in_dim3A_515 = vector.shape_cast %reduce_min3A_514 : vector<196xf32> to vector<1x196xf32>
    %reduce_sum3A_516 = vector.shape_cast %broadcast_in_dim3A_515 : vector<1x196xf32> to vector<1x1x196xf32>
    %reduce_sum3A_517 = arith.constant dense<0.000000e+00> : vector<1xf32>
    %reduce_sum3A_518 = vector.multi_reduction <add>, %reduce_sum3A_516, %reduce_sum3A_517 [1, 2] : vector<1x1x196xf32> to vector<1xf32>
    %reduce_sum3A_519 = vector.shape_cast %reduce_sum3A_518 : vector<1xf32> to vector<1x1x1xf32>
    %reduce_sum3A_520 = vector.extract %reduce_sum3A_519[0, 0, 0] : f32 from vector<1x1x1xf32>
    %mul3A_521 = arith.constant 0.006737947 : f32
    %mul3A_522 = arith.mulf %mul3A_521, %reduce_sum3A_520 : f32
    %add3A_523 = arith.addf %add3A_507, %mul3A_522 : f32
    %gt3A_524 = vector.broadcast %broadcast_in_dim3A_515 : vector<1x196xf32> to vector<512x196xf32>
    %gt3A_525 = arith.cmpf ogt, %add3A_432, %gt3A_524 : vector<512x196xf32>
    %jit3A_526 = arith.constant 3.000000e+38 : f32
    %broadcast_in_dim3A_527 = vector.broadcast %jit3A_526 : f32 to vector<512x196xf32>
    %select_n3A_528 = arith.select %gt3A_525, %add3A_432, %broadcast_in_dim3A_527 : vector<512x196xi1>, vector<512x196xf32>
    %reduce_min3A_529 = arith.constant dense<0x7F800000> : vector<196xf32>
    %reduce_min3A_530 = vector.multi_reduction <minimumf>, %select_n3A_528, %reduce_min3A_529 [0] : vector<512x196xf32> to vector<196xf32>
    %broadcast_in_dim3A_531 = vector.shape_cast %reduce_min3A_530 : vector<196xf32> to vector<1x196xf32>
    %reduce_sum3A_532 = vector.shape_cast %broadcast_in_dim3A_531 : vector<1x196xf32> to vector<1x1x196xf32>
    %reduce_sum3A_533 = arith.constant dense<0.000000e+00> : vector<1xf32>
    %reduce_sum3A_534 = vector.multi_reduction <add>, %reduce_sum3A_532, %reduce_sum3A_533 [1, 2] : vector<1x1x196xf32> to vector<1xf32>
    %reduce_sum3A_535 = vector.shape_cast %reduce_sum3A_534 : vector<1xf32> to vector<1x1x1xf32>
    %reduce_sum3A_536 = vector.extract %reduce_sum3A_535[0, 0, 0] : f32 from vector<1x1x1xf32>
    %mul3A_537 = arith.constant 0.00247875229 : f32
    %mul3A_538 = arith.mulf %mul3A_537, %reduce_sum3A_536 : f32
    %add3A_539 = arith.addf %add3A_523, %mul3A_538 : f32
    %gt3A_540 = vector.broadcast %broadcast_in_dim3A_531 : vector<1x196xf32> to vector<512x196xf32>
    %gt3A_541 = arith.cmpf ogt, %add3A_432, %gt3A_540 : vector<512x196xf32>
    %jit3A_542 = arith.constant 3.000000e+38 : f32
    %broadcast_in_dim3A_543 = vector.broadcast %jit3A_542 : f32 to vector<512x196xf32>
    %select_n3A_544 = arith.select %gt3A_541, %add3A_432, %broadcast_in_dim3A_543 : vector<512x196xi1>, vector<512x196xf32>
    %reduce_min3A_545 = arith.constant dense<0x7F800000> : vector<196xf32>
    %reduce_min3A_546 = vector.multi_reduction <minimumf>, %select_n3A_544, %reduce_min3A_545 [0] : vector<512x196xf32> to vector<196xf32>
    %broadcast_in_dim3A_547 = vector.shape_cast %reduce_min3A_546 : vector<196xf32> to vector<1x196xf32>
    %reduce_sum3A_548 = vector.shape_cast %broadcast_in_dim3A_547 : vector<1x196xf32> to vector<1x1x196xf32>
    %reduce_sum3A_549 = arith.constant dense<0.000000e+00> : vector<1xf32>
    %reduce_sum3A_550 = vector.multi_reduction <add>, %reduce_sum3A_548, %reduce_sum3A_549 [1, 2] : vector<1x1x196xf32> to vector<1xf32>
    %reduce_sum3A_551 = vector.shape_cast %reduce_sum3A_550 : vector<1xf32> to vector<1x1x1xf32>
    %reduce_sum3A_552 = vector.extract %reduce_sum3A_551[0, 0, 0] : f32 from vector<1x1x1xf32>
    %mul3A_553 = arith.constant 9.118820e-04 : f32
    %mul3A_554 = arith.mulf %mul3A_553, %reduce_sum3A_552 : f32
    %add3A_555 = arith.addf %add3A_539, %mul3A_554 : f32
    %gt3A_556 = vector.broadcast %broadcast_in_dim3A_547 : vector<1x196xf32> to vector<512x196xf32>
    %gt3A_557 = arith.cmpf ogt, %add3A_432, %gt3A_556 : vector<512x196xf32>
    %jit3A_558 = arith.constant 3.000000e+38 : f32
    %broadcast_in_dim3A_559 = vector.broadcast %jit3A_558 : f32 to vector<512x196xf32>
    %select_n3A_560 = arith.select %gt3A_557, %add3A_432, %broadcast_in_dim3A_559 : vector<512x196xi1>, vector<512x196xf32>
    %reduce_min3A_561 = arith.constant dense<0x7F800000> : vector<196xf32>
    %reduce_min3A_562 = vector.multi_reduction <minimumf>, %select_n3A_560, %reduce_min3A_561 [0] : vector<512x196xf32> to vector<196xf32>
    %broadcast_in_dim3A_563 = vector.shape_cast %reduce_min3A_562 : vector<196xf32> to vector<1x196xf32>
    %reduce_sum3A_564 = vector.shape_cast %broadcast_in_dim3A_563 : vector<1x196xf32> to vector<1x1x196xf32>
    %reduce_sum3A_565 = arith.constant dense<0.000000e+00> : vector<1xf32>
    %reduce_sum3A_566 = vector.multi_reduction <add>, %reduce_sum3A_564, %reduce_sum3A_565 [1, 2] : vector<1x1x196xf32> to vector<1xf32>
    %reduce_sum3A_567 = vector.shape_cast %reduce_sum3A_566 : vector<1xf32> to vector<1x1x1xf32>
    %reduce_sum3A_568 = vector.extract %reduce_sum3A_567[0, 0, 0] : f32 from vector<1x1x1xf32>
    %mul3A_569 = arith.constant 3.35462624E-4 : f32
    %mul3A_570 = arith.mulf %mul3A_569, %reduce_sum3A_568 : f32
    %add3A_571 = arith.addf %add3A_555, %mul3A_570 : f32
    %gt3A_572 = vector.broadcast %broadcast_in_dim3A_563 : vector<1x196xf32> to vector<512x196xf32>
    %gt3A_573 = arith.cmpf ogt, %add3A_432, %gt3A_572 : vector<512x196xf32>
    %jit3A_574 = arith.constant 3.000000e+38 : f32
    %broadcast_in_dim3A_575 = vector.broadcast %jit3A_574 : f32 to vector<512x196xf32>
    %select_n3A_576 = arith.select %gt3A_573, %add3A_432, %broadcast_in_dim3A_575 : vector<512x196xi1>, vector<512x196xf32>
    %reduce_min3A_577 = arith.constant dense<0x7F800000> : vector<196xf32>
    %reduce_min3A_578 = vector.multi_reduction <minimumf>, %select_n3A_576, %reduce_min3A_577 [0] : vector<512x196xf32> to vector<196xf32>
    %broadcast_in_dim3A_579 = vector.shape_cast %reduce_min3A_578 : vector<196xf32> to vector<1x196xf32>
    %reduce_sum3A_580 = vector.shape_cast %broadcast_in_dim3A_579 : vector<1x196xf32> to vector<1x1x196xf32>
    %reduce_sum3A_581 = arith.constant dense<0.000000e+00> : vector<1xf32>
    %reduce_sum3A_582 = vector.multi_reduction <add>, %reduce_sum3A_580, %reduce_sum3A_581 [1, 2] : vector<1x1x196xf32> to vector<1xf32>
    %reduce_sum3A_583 = vector.shape_cast %reduce_sum3A_582 : vector<1xf32> to vector<1x1x1xf32>
    %reduce_sum3A_584 = vector.extract %reduce_sum3A_583[0, 0, 0] : f32 from vector<1x1x1xf32>
    %mul3A_585 = arith.constant 1.23409802E-4 : f32
    %mul3A_586 = arith.mulf %mul3A_585, %reduce_sum3A_584 : f32
    %add3A_587 = arith.addf %add3A_571, %mul3A_586 : f32
    %gt3A_588 = vector.broadcast %broadcast_in_dim3A_579 : vector<1x196xf32> to vector<512x196xf32>
    %gt3A_589 = arith.cmpf ogt, %add3A_432, %gt3A_588 : vector<512x196xf32>
    %jit3A_590 = arith.constant 3.000000e+38 : f32
    %broadcast_in_dim3A_591 = vector.broadcast %jit3A_590 : f32 to vector<512x196xf32>
    %select_n3A_592 = arith.select %gt3A_589, %add3A_432, %broadcast_in_dim3A_591 : vector<512x196xi1>, vector<512x196xf32>
    %reduce_min3A_593 = arith.constant dense<0x7F800000> : vector<196xf32>
    %reduce_min3A_594 = vector.multi_reduction <minimumf>, %select_n3A_592, %reduce_min3A_593 [0] : vector<512x196xf32> to vector<196xf32>
    %broadcast_in_dim3A_595 = vector.shape_cast %reduce_min3A_594 : vector<196xf32> to vector<1x196xf32>
    %reduce_sum3A_596 = vector.shape_cast %broadcast_in_dim3A_595 : vector<1x196xf32> to vector<1x1x196xf32>
    %reduce_sum3A_597 = arith.constant dense<0.000000e+00> : vector<1xf32>
    %reduce_sum3A_598 = vector.multi_reduction <add>, %reduce_sum3A_596, %reduce_sum3A_597 [1, 2] : vector<1x1x196xf32> to vector<1xf32>
    %reduce_sum3A_599 = vector.shape_cast %reduce_sum3A_598 : vector<1xf32> to vector<1x1x1xf32>
    %reduce_sum3A_600 = vector.extract %reduce_sum3A_599[0, 0, 0] : f32 from vector<1x1x1xf32>
    %mul3A_601 = arith.constant 4.5399931E-5 : f32
    %mul3A_602 = arith.mulf %mul3A_601, %reduce_sum3A_600 : f32
    %add3A_603 = arith.addf %add3A_587, %mul3A_602 : f32
    %gt3A_604 = vector.broadcast %broadcast_in_dim3A_595 : vector<1x196xf32> to vector<512x196xf32>
    %gt3A_605 = arith.cmpf ogt, %add3A_432, %gt3A_604 : vector<512x196xf32>
    %jit3A_606 = arith.constant 3.000000e+38 : f32
    %broadcast_in_dim3A_607 = vector.broadcast %jit3A_606 : f32 to vector<512x196xf32>
    %select_n3A_608 = arith.select %gt3A_605, %add3A_432, %broadcast_in_dim3A_607 : vector<512x196xi1>, vector<512x196xf32>
    %reduce_min3A_609 = arith.constant dense<0x7F800000> : vector<196xf32>
    %reduce_min3A_610 = vector.multi_reduction <minimumf>, %select_n3A_608, %reduce_min3A_609 [0] : vector<512x196xf32> to vector<196xf32>
    %broadcast_in_dim3A_611 = vector.shape_cast %reduce_min3A_610 : vector<196xf32> to vector<1x196xf32>
    %reduce_sum3A_612 = vector.shape_cast %broadcast_in_dim3A_611 : vector<1x196xf32> to vector<1x1x196xf32>
    %reduce_sum3A_613 = arith.constant dense<0.000000e+00> : vector<1xf32>
    %reduce_sum3A_614 = vector.multi_reduction <add>, %reduce_sum3A_612, %reduce_sum3A_613 [1, 2] : vector<1x1x196xf32> to vector<1xf32>
    %reduce_sum3A_615 = vector.shape_cast %reduce_sum3A_614 : vector<1xf32> to vector<1x1x1xf32>
    %reduce_sum3A_616 = vector.extract %reduce_sum3A_615[0, 0, 0] : f32 from vector<1x1x1xf32>
    %mul3A_617 = arith.constant 1.670170e-05 : f32
    %mul3A_618 = arith.mulf %mul3A_617, %reduce_sum3A_616 : f32
    %add3A_619 = arith.addf %add3A_603, %mul3A_618 : f32
    %get3A_620 = arith.constant 3 : index
    %get3A_621 = arith.constant 0 : index
    %get3A_622 = arith.constant 0 : index
    %get3A_623 = vector.load %arg0[%get3A_620, %get3A_621, %get3A_622] : memref<4x64x196xf32, #tpu.memory_space<vmem>>, vector<1x64x196xf32>
    %get3A_624 = vector.shape_cast %get3A_623 : vector<1x64x196xf32> to vector<64x196xf32>
    %mul3A_625 = arith.mulf %get3A_1, %get3A_1 : vector<512x64xf32>
    %reduce_sum3A_626 = arith.constant dense<0.000000e+00> : vector<512xf32>
    %reduce_sum3A_627 = vector.multi_reduction <add>, %mul3A_625, %reduce_sum3A_626 [1] : vector<512x64xf32> to vector<512xf32>
    %broadcast_in_dim3A_628 = vector.shape_cast %reduce_sum3A_627 : vector<512xf32> to vector<512x1xf32>
    %mul3A_629 = arith.mulf %get3A_624, %get3A_624 : vector<64x196xf32>
    %reduce_sum3A_630 = arith.constant dense<0.000000e+00> : vector<196xf32>
    %reduce_sum3A_631 = vector.multi_reduction <add>, %mul3A_629, %reduce_sum3A_630 [0] : vector<64x196xf32> to vector<196xf32>
    %broadcast_in_dim3A_632 = vector.shape_cast %reduce_sum3A_631 : vector<196xf32> to vector<1x196xf32>
    %dot_general3A_633 = arith.constant dense<0.000000e+00> : vector<512x196xf32>
    %dot_general3A_634 = tpu.matmul %get3A_1, %get3A_624, %dot_general3A_633 {dimension_numbers = #tpu.dot_dimension_numbers<[1], [0], [0], [1], [0, 0, 1, 1], [], []>, precision = #tpu.contract_precision<fp32>, transpose_lhs_hint = false} : vector<512x64xf32>, vector<64x196xf32>, vector<512x196xf32> -> vector<512x196xf32>
    %mul3A_635 = arith.constant 2.000000e+00 : f32
    %mul3A_636 = vector.broadcast %mul3A_635 : f32 to vector<512x196xf32>
    %mul3A_637 = arith.mulf %mul3A_636, %dot_general3A_634 : vector<512x196xf32>
    %sub3A_638 = vector.broadcast %broadcast_in_dim3A_628 : vector<512x1xf32> to vector<512x196xf32>
    %sub3A_639 = arith.subf %sub3A_638, %mul3A_637 : vector<512x196xf32>
    %add3A_640 = vector.broadcast %broadcast_in_dim3A_632 : vector<1x196xf32> to vector<512x196xf32>
    %add3A_641 = arith.addf %sub3A_639, %add3A_640 : vector<512x196xf32>
    %get3A_642 = arith.constant 3 : index
    %get3A_643 = arith.constant 0 : index
    %get3A_644 = vector.load %arg2[%get3A_642, %get3A_643] : memref<4x196xf32, #tpu.memory_space<vmem>>, vector<1x196xf32>
    %reduce_sum3A_645 = vector.shape_cast %get3A_644 : vector<1x196xf32> to vector<1x1x196xf32>
    %reduce_sum3A_646 = arith.constant dense<0.000000e+00> : vector<1xf32>
    %reduce_sum3A_647 = vector.multi_reduction <add>, %reduce_sum3A_645, %reduce_sum3A_646 [1, 2] : vector<1x1x196xf32> to vector<1xf32>
    %reduce_sum3A_648 = vector.shape_cast %reduce_sum3A_647 : vector<1xf32> to vector<1x1x1xf32>
    %reduce_sum3A_649 = vector.extract %reduce_sum3A_648[0, 0, 0] : f32 from vector<1x1x1xf32>
    %mul3A_650 = arith.constant 1.000000e+00 : f32
    %mul3A_651 = arith.mulf %mul3A_650, %reduce_sum3A_649 : f32
    %add3A_652 = arith.addf %add3A_619, %mul3A_651 : f32
    %gt3A_653 = vector.broadcast %get3A_644 : vector<1x196xf32> to vector<512x196xf32>
    %gt3A_654 = arith.cmpf ogt, %add3A_641, %gt3A_653 : vector<512x196xf32>
    %jit3A_655 = arith.constant 3.000000e+38 : f32
    %broadcast_in_dim3A_656 = vector.broadcast %jit3A_655 : f32 to vector<512x196xf32>
    %select_n3A_657 = arith.select %gt3A_654, %add3A_641, %broadcast_in_dim3A_656 : vector<512x196xi1>, vector<512x196xf32>
    %reduce_min3A_658 = arith.constant dense<0x7F800000> : vector<196xf32>
    %reduce_min3A_659 = vector.multi_reduction <minimumf>, %select_n3A_657, %reduce_min3A_658 [0] : vector<512x196xf32> to vector<196xf32>
    %broadcast_in_dim3A_660 = vector.shape_cast %reduce_min3A_659 : vector<196xf32> to vector<1x196xf32>
    %reduce_sum3A_661 = vector.shape_cast %broadcast_in_dim3A_660 : vector<1x196xf32> to vector<1x1x196xf32>
    %reduce_sum3A_662 = arith.constant dense<0.000000e+00> : vector<1xf32>
    %reduce_sum3A_663 = vector.multi_reduction <add>, %reduce_sum3A_661, %reduce_sum3A_662 [1, 2] : vector<1x1x196xf32> to vector<1xf32>
    %reduce_sum3A_664 = vector.shape_cast %reduce_sum3A_663 : vector<1xf32> to vector<1x1x1xf32>
    %reduce_sum3A_665 = vector.extract %reduce_sum3A_664[0, 0, 0] : f32 from vector<1x1x1xf32>
    %mul3A_666 = arith.constant 0.36787945 : f32
    %mul3A_667 = arith.mulf %mul3A_666, %reduce_sum3A_665 : f32
    %add3A_668 = arith.addf %add3A_652, %mul3A_667 : f32
    %gt3A_669 = vector.broadcast %broadcast_in_dim3A_660 : vector<1x196xf32> to vector<512x196xf32>
    %gt3A_670 = arith.cmpf ogt, %add3A_641, %gt3A_669 : vector<512x196xf32>
    %jit3A_671 = arith.constant 3.000000e+38 : f32
    %broadcast_in_dim3A_672 = vector.broadcast %jit3A_671 : f32 to vector<512x196xf32>
    %select_n3A_673 = arith.select %gt3A_670, %add3A_641, %broadcast_in_dim3A_672 : vector<512x196xi1>, vector<512x196xf32>
    %reduce_min3A_674 = arith.constant dense<0x7F800000> : vector<196xf32>
    %reduce_min3A_675 = vector.multi_reduction <minimumf>, %select_n3A_673, %reduce_min3A_674 [0] : vector<512x196xf32> to vector<196xf32>
    %broadcast_in_dim3A_676 = vector.shape_cast %reduce_min3A_675 : vector<196xf32> to vector<1x196xf32>
    %reduce_sum3A_677 = vector.shape_cast %broadcast_in_dim3A_676 : vector<1x196xf32> to vector<1x1x196xf32>
    %reduce_sum3A_678 = arith.constant dense<0.000000e+00> : vector<1xf32>
    %reduce_sum3A_679 = vector.multi_reduction <add>, %reduce_sum3A_677, %reduce_sum3A_678 [1, 2] : vector<1x1x196xf32> to vector<1xf32>
    %reduce_sum3A_680 = vector.shape_cast %reduce_sum3A_679 : vector<1xf32> to vector<1x1x1xf32>
    %reduce_sum3A_681 = vector.extract %reduce_sum3A_680[0, 0, 0] : f32 from vector<1x1x1xf32>
    %mul3A_682 = arith.constant 0.135335281 : f32
    %mul3A_683 = arith.mulf %mul3A_682, %reduce_sum3A_681 : f32
    %add3A_684 = arith.addf %add3A_668, %mul3A_683 : f32
    %gt3A_685 = vector.broadcast %broadcast_in_dim3A_676 : vector<1x196xf32> to vector<512x196xf32>
    %gt3A_686 = arith.cmpf ogt, %add3A_641, %gt3A_685 : vector<512x196xf32>
    %jit3A_687 = arith.constant 3.000000e+38 : f32
    %broadcast_in_dim3A_688 = vector.broadcast %jit3A_687 : f32 to vector<512x196xf32>
    %select_n3A_689 = arith.select %gt3A_686, %add3A_641, %broadcast_in_dim3A_688 : vector<512x196xi1>, vector<512x196xf32>
    %reduce_min3A_690 = arith.constant dense<0x7F800000> : vector<196xf32>
    %reduce_min3A_691 = vector.multi_reduction <minimumf>, %select_n3A_689, %reduce_min3A_690 [0] : vector<512x196xf32> to vector<196xf32>
    %broadcast_in_dim3A_692 = vector.shape_cast %reduce_min3A_691 : vector<196xf32> to vector<1x196xf32>
    %reduce_sum3A_693 = vector.shape_cast %broadcast_in_dim3A_692 : vector<1x196xf32> to vector<1x1x196xf32>
    %reduce_sum3A_694 = arith.constant dense<0.000000e+00> : vector<1xf32>
    %reduce_sum3A_695 = vector.multi_reduction <add>, %reduce_sum3A_693, %reduce_sum3A_694 [1, 2] : vector<1x1x196xf32> to vector<1xf32>
    %reduce_sum3A_696 = vector.shape_cast %reduce_sum3A_695 : vector<1xf32> to vector<1x1x1xf32>
    %reduce_sum3A_697 = vector.extract %reduce_sum3A_696[0, 0, 0] : f32 from vector<1x1x1xf32>
    %mul3A_698 = arith.constant 0.0497870669 : f32
    %mul3A_699 = arith.mulf %mul3A_698, %reduce_sum3A_697 : f32
    %add3A_700 = arith.addf %add3A_684, %mul3A_699 : f32
    %gt3A_701 = vector.broadcast %broadcast_in_dim3A_692 : vector<1x196xf32> to vector<512x196xf32>
    %gt3A_702 = arith.cmpf ogt, %add3A_641, %gt3A_701 : vector<512x196xf32>
    %jit3A_703 = arith.constant 3.000000e+38 : f32
    %broadcast_in_dim3A_704 = vector.broadcast %jit3A_703 : f32 to vector<512x196xf32>
    %select_n3A_705 = arith.select %gt3A_702, %add3A_641, %broadcast_in_dim3A_704 : vector<512x196xi1>, vector<512x196xf32>
    %reduce_min3A_706 = arith.constant dense<0x7F800000> : vector<196xf32>
    %reduce_min3A_707 = vector.multi_reduction <minimumf>, %select_n3A_705, %reduce_min3A_706 [0] : vector<512x196xf32> to vector<196xf32>
    %broadcast_in_dim3A_708 = vector.shape_cast %reduce_min3A_707 : vector<196xf32> to vector<1x196xf32>
    %reduce_sum3A_709 = vector.shape_cast %broadcast_in_dim3A_708 : vector<1x196xf32> to vector<1x1x196xf32>
    %reduce_sum3A_710 = arith.constant dense<0.000000e+00> : vector<1xf32>
    %reduce_sum3A_711 = vector.multi_reduction <add>, %reduce_sum3A_709, %reduce_sum3A_710 [1, 2] : vector<1x1x196xf32> to vector<1xf32>
    %reduce_sum3A_712 = vector.shape_cast %reduce_sum3A_711 : vector<1xf32> to vector<1x1x1xf32>
    %reduce_sum3A_713 = vector.extract %reduce_sum3A_712[0, 0, 0] : f32 from vector<1x1x1xf32>
    %mul3A_714 = arith.constant 0.0183156393 : f32
    %mul3A_715 = arith.mulf %mul3A_714, %reduce_sum3A_713 : f32
    %add3A_716 = arith.addf %add3A_700, %mul3A_715 : f32
    %gt3A_717 = vector.broadcast %broadcast_in_dim3A_708 : vector<1x196xf32> to vector<512x196xf32>
    %gt3A_718 = arith.cmpf ogt, %add3A_641, %gt3A_717 : vector<512x196xf32>
    %jit3A_719 = arith.constant 3.000000e+38 : f32
    %broadcast_in_dim3A_720 = vector.broadcast %jit3A_719 : f32 to vector<512x196xf32>
    %select_n3A_721 = arith.select %gt3A_718, %add3A_641, %broadcast_in_dim3A_720 : vector<512x196xi1>, vector<512x196xf32>
    %reduce_min3A_722 = arith.constant dense<0x7F800000> : vector<196xf32>
    %reduce_min3A_723 = vector.multi_reduction <minimumf>, %select_n3A_721, %reduce_min3A_722 [0] : vector<512x196xf32> to vector<196xf32>
    %broadcast_in_dim3A_724 = vector.shape_cast %reduce_min3A_723 : vector<196xf32> to vector<1x196xf32>
    %reduce_sum3A_725 = vector.shape_cast %broadcast_in_dim3A_724 : vector<1x196xf32> to vector<1x1x196xf32>
    %reduce_sum3A_726 = arith.constant dense<0.000000e+00> : vector<1xf32>
    %reduce_sum3A_727 = vector.multi_reduction <add>, %reduce_sum3A_725, %reduce_sum3A_726 [1, 2] : vector<1x1x196xf32> to vector<1xf32>
    %reduce_sum3A_728 = vector.shape_cast %reduce_sum3A_727 : vector<1xf32> to vector<1x1x1xf32>
    %reduce_sum3A_729 = vector.extract %reduce_sum3A_728[0, 0, 0] : f32 from vector<1x1x1xf32>
    %mul3A_730 = arith.constant 0.006737947 : f32
    %mul3A_731 = arith.mulf %mul3A_730, %reduce_sum3A_729 : f32
    %add3A_732 = arith.addf %add3A_716, %mul3A_731 : f32
    %gt3A_733 = vector.broadcast %broadcast_in_dim3A_724 : vector<1x196xf32> to vector<512x196xf32>
    %gt3A_734 = arith.cmpf ogt, %add3A_641, %gt3A_733 : vector<512x196xf32>
    %jit3A_735 = arith.constant 3.000000e+38 : f32
    %broadcast_in_dim3A_736 = vector.broadcast %jit3A_735 : f32 to vector<512x196xf32>
    %select_n3A_737 = arith.select %gt3A_734, %add3A_641, %broadcast_in_dim3A_736 : vector<512x196xi1>, vector<512x196xf32>
    %reduce_min3A_738 = arith.constant dense<0x7F800000> : vector<196xf32>
    %reduce_min3A_739 = vector.multi_reduction <minimumf>, %select_n3A_737, %reduce_min3A_738 [0] : vector<512x196xf32> to vector<196xf32>
    %broadcast_in_dim3A_740 = vector.shape_cast %reduce_min3A_739 : vector<196xf32> to vector<1x196xf32>
    %reduce_sum3A_741 = vector.shape_cast %broadcast_in_dim3A_740 : vector<1x196xf32> to vector<1x1x196xf32>
    %reduce_sum3A_742 = arith.constant dense<0.000000e+00> : vector<1xf32>
    %reduce_sum3A_743 = vector.multi_reduction <add>, %reduce_sum3A_741, %reduce_sum3A_742 [1, 2] : vector<1x1x196xf32> to vector<1xf32>
    %reduce_sum3A_744 = vector.shape_cast %reduce_sum3A_743 : vector<1xf32> to vector<1x1x1xf32>
    %reduce_sum3A_745 = vector.extract %reduce_sum3A_744[0, 0, 0] : f32 from vector<1x1x1xf32>
    %mul3A_746 = arith.constant 0.00247875229 : f32
    %mul3A_747 = arith.mulf %mul3A_746, %reduce_sum3A_745 : f32
    %add3A_748 = arith.addf %add3A_732, %mul3A_747 : f32
    %gt3A_749 = vector.broadcast %broadcast_in_dim3A_740 : vector<1x196xf32> to vector<512x196xf32>
    %gt3A_750 = arith.cmpf ogt, %add3A_641, %gt3A_749 : vector<512x196xf32>
    %jit3A_751 = arith.constant 3.000000e+38 : f32
    %broadcast_in_dim3A_752 = vector.broadcast %jit3A_751 : f32 to vector<512x196xf32>
    %select_n3A_753 = arith.select %gt3A_750, %add3A_641, %broadcast_in_dim3A_752 : vector<512x196xi1>, vector<512x196xf32>
    %reduce_min3A_754 = arith.constant dense<0x7F800000> : vector<196xf32>
    %reduce_min3A_755 = vector.multi_reduction <minimumf>, %select_n3A_753, %reduce_min3A_754 [0] : vector<512x196xf32> to vector<196xf32>
    %broadcast_in_dim3A_756 = vector.shape_cast %reduce_min3A_755 : vector<196xf32> to vector<1x196xf32>
    %reduce_sum3A_757 = vector.shape_cast %broadcast_in_dim3A_756 : vector<1x196xf32> to vector<1x1x196xf32>
    %reduce_sum3A_758 = arith.constant dense<0.000000e+00> : vector<1xf32>
    %reduce_sum3A_759 = vector.multi_reduction <add>, %reduce_sum3A_757, %reduce_sum3A_758 [1, 2] : vector<1x1x196xf32> to vector<1xf32>
    %reduce_sum3A_760 = vector.shape_cast %reduce_sum3A_759 : vector<1xf32> to vector<1x1x1xf32>
    %reduce_sum3A_761 = vector.extract %reduce_sum3A_760[0, 0, 0] : f32 from vector<1x1x1xf32>
    %mul3A_762 = arith.constant 9.118820e-04 : f32
    %mul3A_763 = arith.mulf %mul3A_762, %reduce_sum3A_761 : f32
    %add3A_764 = arith.addf %add3A_748, %mul3A_763 : f32
    %gt3A_765 = vector.broadcast %broadcast_in_dim3A_756 : vector<1x196xf32> to vector<512x196xf32>
    %gt3A_766 = arith.cmpf ogt, %add3A_641, %gt3A_765 : vector<512x196xf32>
    %jit3A_767 = arith.constant 3.000000e+38 : f32
    %broadcast_in_dim3A_768 = vector.broadcast %jit3A_767 : f32 to vector<512x196xf32>
    %select_n3A_769 = arith.select %gt3A_766, %add3A_641, %broadcast_in_dim3A_768 : vector<512x196xi1>, vector<512x196xf32>
    %reduce_min3A_770 = arith.constant dense<0x7F800000> : vector<196xf32>
    %reduce_min3A_771 = vector.multi_reduction <minimumf>, %select_n3A_769, %reduce_min3A_770 [0] : vector<512x196xf32> to vector<196xf32>
    %broadcast_in_dim3A_772 = vector.shape_cast %reduce_min3A_771 : vector<196xf32> to vector<1x196xf32>
    %reduce_sum3A_773 = vector.shape_cast %broadcast_in_dim3A_772 : vector<1x196xf32> to vector<1x1x196xf32>
    %reduce_sum3A_774 = arith.constant dense<0.000000e+00> : vector<1xf32>
    %reduce_sum3A_775 = vector.multi_reduction <add>, %reduce_sum3A_773, %reduce_sum3A_774 [1, 2] : vector<1x1x196xf32> to vector<1xf32>
    %reduce_sum3A_776 = vector.shape_cast %reduce_sum3A_775 : vector<1xf32> to vector<1x1x1xf32>
    %reduce_sum3A_777 = vector.extract %reduce_sum3A_776[0, 0, 0] : f32 from vector<1x1x1xf32>
    %mul3A_778 = arith.constant 3.35462624E-4 : f32
    %mul3A_779 = arith.mulf %mul3A_778, %reduce_sum3A_777 : f32
    %add3A_780 = arith.addf %add3A_764, %mul3A_779 : f32
    %gt3A_781 = vector.broadcast %broadcast_in_dim3A_772 : vector<1x196xf32> to vector<512x196xf32>
    %gt3A_782 = arith.cmpf ogt, %add3A_641, %gt3A_781 : vector<512x196xf32>
    %jit3A_783 = arith.constant 3.000000e+38 : f32
    %broadcast_in_dim3A_784 = vector.broadcast %jit3A_783 : f32 to vector<512x196xf32>
    %select_n3A_785 = arith.select %gt3A_782, %add3A_641, %broadcast_in_dim3A_784 : vector<512x196xi1>, vector<512x196xf32>
    %reduce_min3A_786 = arith.constant dense<0x7F800000> : vector<196xf32>
    %reduce_min3A_787 = vector.multi_reduction <minimumf>, %select_n3A_785, %reduce_min3A_786 [0] : vector<512x196xf32> to vector<196xf32>
    %broadcast_in_dim3A_788 = vector.shape_cast %reduce_min3A_787 : vector<196xf32> to vector<1x196xf32>
    %reduce_sum3A_789 = vector.shape_cast %broadcast_in_dim3A_788 : vector<1x196xf32> to vector<1x1x196xf32>
    %reduce_sum3A_790 = arith.constant dense<0.000000e+00> : vector<1xf32>
    %reduce_sum3A_791 = vector.multi_reduction <add>, %reduce_sum3A_789, %reduce_sum3A_790 [1, 2] : vector<1x1x196xf32> to vector<1xf32>
    %reduce_sum3A_792 = vector.shape_cast %reduce_sum3A_791 : vector<1xf32> to vector<1x1x1xf32>
    %reduce_sum3A_793 = vector.extract %reduce_sum3A_792[0, 0, 0] : f32 from vector<1x1x1xf32>
    %mul3A_794 = arith.constant 1.23409802E-4 : f32
    %mul3A_795 = arith.mulf %mul3A_794, %reduce_sum3A_793 : f32
    %add3A_796 = arith.addf %add3A_780, %mul3A_795 : f32
    %gt3A_797 = vector.broadcast %broadcast_in_dim3A_788 : vector<1x196xf32> to vector<512x196xf32>
    %gt3A_798 = arith.cmpf ogt, %add3A_641, %gt3A_797 : vector<512x196xf32>
    %jit3A_799 = arith.constant 3.000000e+38 : f32
    %broadcast_in_dim3A_800 = vector.broadcast %jit3A_799 : f32 to vector<512x196xf32>
    %select_n3A_801 = arith.select %gt3A_798, %add3A_641, %broadcast_in_dim3A_800 : vector<512x196xi1>, vector<512x196xf32>
    %reduce_min3A_802 = arith.constant dense<0x7F800000> : vector<196xf32>
    %reduce_min3A_803 = vector.multi_reduction <minimumf>, %select_n3A_801, %reduce_min3A_802 [0] : vector<512x196xf32> to vector<196xf32>
    %broadcast_in_dim3A_804 = vector.shape_cast %reduce_min3A_803 : vector<196xf32> to vector<1x196xf32>
    %reduce_sum3A_805 = vector.shape_cast %broadcast_in_dim3A_804 : vector<1x196xf32> to vector<1x1x196xf32>
    %reduce_sum3A_806 = arith.constant dense<0.000000e+00> : vector<1xf32>
    %reduce_sum3A_807 = vector.multi_reduction <add>, %reduce_sum3A_805, %reduce_sum3A_806 [1, 2] : vector<1x1x196xf32> to vector<1xf32>
    %reduce_sum3A_808 = vector.shape_cast %reduce_sum3A_807 : vector<1xf32> to vector<1x1x1xf32>
    %reduce_sum3A_809 = vector.extract %reduce_sum3A_808[0, 0, 0] : f32 from vector<1x1x1xf32>
    %mul3A_810 = arith.constant 4.5399931E-5 : f32
    %mul3A_811 = arith.mulf %mul3A_810, %reduce_sum3A_809 : f32
    %add3A_812 = arith.addf %add3A_796, %mul3A_811 : f32
    %gt3A_813 = vector.broadcast %broadcast_in_dim3A_804 : vector<1x196xf32> to vector<512x196xf32>
    %gt3A_814 = arith.cmpf ogt, %add3A_641, %gt3A_813 : vector<512x196xf32>
    %jit3A_815 = arith.constant 3.000000e+38 : f32
    %broadcast_in_dim3A_816 = vector.broadcast %jit3A_815 : f32 to vector<512x196xf32>
    %select_n3A_817 = arith.select %gt3A_814, %add3A_641, %broadcast_in_dim3A_816 : vector<512x196xi1>, vector<512x196xf32>
    %reduce_min3A_818 = arith.constant dense<0x7F800000> : vector<196xf32>
    %reduce_min3A_819 = vector.multi_reduction <minimumf>, %select_n3A_817, %reduce_min3A_818 [0] : vector<512x196xf32> to vector<196xf32>
    %broadcast_in_dim3A_820 = vector.shape_cast %reduce_min3A_819 : vector<196xf32> to vector<1x196xf32>
    %reduce_sum3A_821 = vector.shape_cast %broadcast_in_dim3A_820 : vector<1x196xf32> to vector<1x1x196xf32>
    %reduce_sum3A_822 = arith.constant dense<0.000000e+00> : vector<1xf32>
    %reduce_sum3A_823 = vector.multi_reduction <add>, %reduce_sum3A_821, %reduce_sum3A_822 [1, 2] : vector<1x1x196xf32> to vector<1xf32>
    %reduce_sum3A_824 = vector.shape_cast %reduce_sum3A_823 : vector<1xf32> to vector<1x1x1xf32>
    %reduce_sum3A_825 = vector.extract %reduce_sum3A_824[0, 0, 0] : f32 from vector<1x1x1xf32>
    %mul3A_826 = arith.constant 1.670170e-05 : f32
    %mul3A_827 = arith.mulf %mul3A_826, %reduce_sum3A_825 : f32
    %add3A_828 = arith.addf %add3A_812, %mul3A_827 : f32
    %div3A = arith.constant 4.014080e+05 : f32
    %div3A_829 = arith.divf %add3A_828, %div3A : f32
    %swap3A = arith.constant 0 : index
    %swap3A_830 = arith.constant 0 : index
    %swap3A_831 = memref.load %arg3[%swap3A, %swap3A_830] : memref<1x1xf32, #tpu.memory_space<smem>>
    memref.store %div3A_829, %arg3[%swap3A, %swap3A_830] : memref<1x1xf32, #tpu.memory_space<smem>>
    return
  }
}

</mosaic_0001>

<sc_bundles>
// kernel: kernel.5.cloned.1.call-start
scs
__scs_entry_jumppad:
0x0: {  	(pc) =	sbr.rel $0x88, $3  }
0x1: {  	(tag) =	ssettag $0x0;
	lr =	simm.s32 $0x1  }
0x2: {  	[smem:$0x3F9F] =	sst lr;
	_ =	strace $0xD0000000  }
0x3: {  	_ = 	snop  }
0x4: {  	_ = 	snop  }
0x5: {  	_ = 	snop  }
0x6: {  	_ = 	snop  }
0x7: {  	_ = 	snop  }
__scs_overlays_trampoline_lowered:
0x8: {  	[smem:$0x3FAE] =	sst s0  }
0x9: {  	[smem:$0x3FAF] =	sst s1  }
0xa: {  	[smem:$0x3FB0] =	sst s2  }
0xb: {  	[smem:$0x3FB1] =	sst s3  }
0xc: {  	[smem:$0x3FB2] =	sst s4  }
0xd: {  	[smem:$0x3FB3] =	sst s5  }
0xe: {  	[smem:$0x3FB4] =	sst s6  }
0xf: {  	[smem:$0x3FB5] =	sst s7  }
0x10: {  	[smem:$0x3FB6] =	sst s8  }
0x11: {  	[smem:$0x3FB7] =	sst s9;
	s0 =	simm.s32 @!p0 $0x0  }
0x12: {  	s1 =	sld [smem:$0x3F9D];
	s0 =	simm.s32 @p0 $0x1  }
0x13: {  	[smem:$0x3FB8] =	sst s0;
	s0 =	simm.s32 @!p1 $0x0  }
0x14: {  	s2 =	sld [smem:$0x3F9C];
	s0 =	simm.s32 @p1 $0x1  }
0x15: {  	[smem:$0x3FB9] =	sst s0;
	s0 =	simm.s32 @!p2 $0x0  }
0x16: {  	s3 =	sld [smem:$0x3FDB];
	s0 =	simm.s32 @p2 $0x1  }
0x17: {  	s4 =	simm.s32 $0x1BF5;
	[smem:$0x3FBB] =	sst s0  }
0x18: {  	s0 =	sld [smem:$0x3F9E];
	_ =	swait.ge [sflag:s4], $0x0  }
0x19: {  	s7 =	sld [smem:$0x3F9F]  }
0x1a: {  	s8 =	sadd.s32 $0xFFFFE003, lr  }
0x1b: {  	s9 =	sadd.s32 $0xFFFFFEF7, lr;
	s5 =	simm.s32 $0xFFFFFFFF;
	p2 =	slt.u32 s8, $0xFFFFF086  }
0x1c: {  	p1 =	slt.u32 s9, $0xF7A;
	s5 =	simm.s32 @!p2 $0x0  }
0x1d: {  	s5 =	simm.s32 @p1 $0x1;
	p0 =	seq.s32 s7, s2  }
0x1e: {  	s7 =	smul.u32 @!p0 $0xF7A, s2;
	p2 =	seq.s32 @!p0 s5, $0x0  }
0x1f: {  	s9 =	smul.u32 $0xF7A, s1;
	s8 =	simm.s32 @!p0 $0x1BF5;
	p2 =	por !p2, p0  }
0x20: {  	[sflag:s8] =	ssyncset.s32 @!p0 $0xFFFFF086;
	s6 =	sadd.s32 @!p0 s3, s7;
	s7 =	simm.s32 @!p0 $0x108  }
0x21: {  	s3 =	sadd.s32 s3, s9;
	s6 =	sadd.s32 @!p0 $0x88, s6;
	s7 =	simm.s32 @p2 $0x1082  }
0x22: {  	[simem:s7], [sflag:s8] =	dma.local @!p0 [hbm:s6], $0xF7A  }
0x23: {  	s9 =	sor.u32 $0xD0000000, s2;
	s6 =	simm.s32 $0x108;
	_ =	swait.ge @!p0 [sflag:s8], $0x0  }
0x24: {  	s3 =	sadd.s32 $0x88, s3;
	s6 =	simm.s32 @!p1 $0x1082;
	[sflag:s4] =	ssyncset.s32 $0xFFFFF086  }
0x25: {  	[simem:s6], [sflag:s4] =	dma.local [hbm:s3], $0xF7A  }
0x26: {  	[smem:$0x3F9F] =	sst s1;
	(tag) =	ssettag s2;
	_ =	strace s9  }
0x27: {  	s1 =	sld [smem:$0x3FAF]  }
0x28: {  	s2 =	sld [smem:$0x3FB0]  }
0x29: {  	s4 =	sld [smem:$0x3FB2]  }
0x2a: {  	p0 =	seq.s32 s5, $0x0;
	s5 =	sld [smem:$0x3FB3]  }
0x2b: {  	s6 =	sld [smem:$0x3FB4]  }
0x2c: {  	s7 =	sld [smem:$0x3FB5]  }
0x2d: {  	s3 =	simm.s32 $0x108;
	s8 =	sld [smem:$0x3FB6]  }
0x2e: {  	s3 =	simm.s32 @!p0 $0x1082;
	s9 =	sld [smem:$0x3FB7]  }
0x2f: {  	lr =	sadd.s32 s0, s3;
	s0 =	sld [smem:$0x3FAE]  }
0x30: {  	s3 =	sld [smem:$0x3FB1]  }
0x31: {  	[smem:$0x3FBA] =	sst s10  }
0x32: {  	s10 =	sld [smem:$0x3FB8];
	_ =	sdelay $0x3  }
0x33: {  	p0 =	seq.s32 s10, $0x1;
	s10 =	sld [smem:$0x3FBA];
	_ =	sdelay $0x3  }
0x34: {  	[smem:$0x3FBA] =	sst s10  }
0x35: {  	s10 =	sld [smem:$0x3FB9];
	_ =	sdelay $0x3  }
0x36: {  	p1 =	seq.s32 s10, $0x1;
	s10 =	sld [smem:$0x3FBA];
	_ =	sdelay $0x3  }
0x37: {  	[smem:$0x3FBA] =	sst s10  }
0x38: {  	s10 =	sld [smem:$0x3FBB]  }
0x39: {  	_ = 	snop;
	(pc) =	sbr.ind lr, $3  }
0x3a: {  	_ = 	snop  }
0x3b: {  	_ = 	snop  }
0x3c: {  	p2 =	seq.s32 s10, $0x1;
	s10 =	sld [smem:$0x3FBA]  }
0x3d: {  	_ =	shalt  }
0x3e: {  	_ =	shalt  }
0x3f: {  	_ =	shalt  }
0x40: {  	_ =	shalt  }
0x41: {  	_ =	shalt  }
0x42: {  	_ =	shalt  }
0x43: {  	_ =	shalt  }
0x44: {  	_ =	shalt  }
0x45: {  	_ =	shalt  }
0x46: {  	_ =	shalt  }
0x47: {  	_ =	shalt  }
0x48: {  	_ =	shalt  }
0x49: {  	_ =	shalt  }
0x4a: {  	_ =	shalt  }
0x4b: {  	_ =	shalt  }
0x4c: {  	_ =	shalt  }
0x4d: {  	_ =	shalt  }
0x4e: {  	_ =	shalt  }
0x4f: {  	_ =	shalt  }
0x50: {  	_ =	shalt  }
0x51: {  	_ =	shalt  }
0x52: {  	_ =	shalt  }
0x53: {  	_ =	shalt  }
0x54: {  	_ =	shalt  }
0x55: {  	_ =	shalt  }
0x56: {  	_ =	shalt  }
0x57: {  	_ =	shalt  }
0x58: {  	_ =	shalt  }
0x59: {  	_ =	shalt  }
0x5a: {  	_ =	shalt  }
0x5b: {  	_ =	shalt  }
0x5c: {  	_ =	shalt  }
0x5d: {  	_ =	shalt  }
0x5e: {  	_ =	shalt  }
0x5f: {  	_ =	shalt  }
0x60: {  	_ =	shalt  }
0x61: {  	_ =	shalt  }
0x62: {  	_ =	shalt  }
0x63: {  	_ =	shalt  }
0x64: {  	_ =	shalt  }
0x65: {  	_ =	shalt  }
0x66: {  	_ =	shalt  }
0x67: {  	_ =	shalt  }
0x68: {  	_ =	shalt  }
0x69: {  	_ =	shalt  }
0x6a: {  	_ =	shalt  }
0x6b: {  	_ =	shalt  }
0x6c: {  	_ =	shalt  }
0x6d: {  	_ =	shalt  }
0x6e: {  	_ =	shalt  }
0x6f: {  	_ =	shalt  }
0x70: {  	_ =	shalt  }
0x71: {  	_ =	shalt  }
0x72: {  	_ =	shalt  }
0x73: {  	_ =	shalt  }
0x74: {  	_ =	shalt  }
0x75: {  	_ =	shalt  }
0x76: {  	_ =	shalt  }
0x77: {  	_ =	shalt  }
0x78: {  	_ =	shalt  }
0x79: {  	_ =	shalt  }
0x7a: {  	_ =	shalt  }
0x7b: {  	_ =	shalt  }
0x7c: {  	_ =	shalt  }
0x7d: {  	_ =	shalt  }
0x7e: {  	_ =	shalt  }
0x7f: {  	_ =	shalt  }
0x80: {  	_ =	shalt  }
0x81: {  	_ =	shalt  }
0x82: {  	_ =	shalt  }
0x83: {  	_ =	shalt  }
0x84: {  	_ =	shalt  }
0x85: {  	_ =	shalt  }
0x86: {  	_ =	shalt  }
0x87: {  	_ =	shalt  }
.Lfunc_end0:
.L_simem_size_0:
called_computation_lowered:
.L_overlay_start_0:
0x88: {  	s2 =	sld [smem:$0x3FD9]  }
0x89: {  	s3 =	sld [smem:$0x3FFE];
	_ =	sdelay $0x1  }
0x8a: {  	s1 =	srdreg.scid  }
0x8b: {  	s0 =	sand.u32 $0x1, s1  }
0x8c: {  	s14 =	sshll.u32 s0, $0xA;
	s2 =	sadd.s32 s3, s2  }
0x8d: {  	s2 =	sadd.s32 s2, s14  }
0x8e: {  	[smem:$0x3FC6] =	sst s2  }
0x8f: {  	_ = 	snop  }
0x90: {  	s2 =	sld [smem:$0x3FD0];
	_ =	sdelay $0x2  }
0x91: {  	s15 =	simm.s32 $0xA;
	s4 =	simm.s32 $0x10  }
0x92: {  	[smem:s4], [sflag:s15] =	dma.local [hbm:s2], $0x1  }
0x93: {  	_ =	swait.eq [sflag:s15], $0x1  }
0x94: {  	[sflag:s15] =	ssyncset.done $0x0  }
0x95: {  	[sflag:s15] =	ssyncadd.s32 $0xFFFFFFFF  }
0x96: {  	s16 =	sld [smem:$0x10];
	(tm) =	ssettm $0x1  }
0x97: {  	s17 =	sld [smem:$0x3FFB];
	_ =	sdelay $0x3  }
0x98: {  	_ =	strace s17  }
0x99: {  	s3 =	sld [smem:$0x3FFC];
	_ =	sdelay $0x3  }
0x9a: {  	_ =	strace s3  }
0x9b: {  	s3 =	sld [smem:$0x3FFD];
	_ =	sdelay $0x3  }
0x9c: {  	_ =	strace s3  }
0x9d: {  	_ =	strace $0x8FFFFFFF  }
0x9e: {  	s18 =	sld [smem:$0x3FDB];
	_ =	sdelay $0x1  }
0x9f: {  	s19 =	simm.s32 $_scs_section_size  }
0xa0: {  	s5 =	simm.s32 $_size__tile_overlayer_lowered;
	s6 =	simm.s32 $_tile_overlayer_lowered  }
0xa1: {  	s22 =	simm.s32 $0x1BFF;
	s21 =	sshll.u32 s6, $0x1;
	s3 =	sadd.s32 s19, s18  }
0xa2: {  	s7 =	simm.s32 $0x0;
	s20 =	sshll.u32 s5, $0x1;
	s5 =	sadd.s32 s21, s3  }
0xa3: {  	[timem:s7], [sflag:s22] =	dma.local [hbm:s5], s20  }
0xa4: {  	_ =	swait.ge [sflag:s22], s20  }
0xa5: {  	s4 =	ssub.s32 $0x0, s20;
	[sflag:s22] =	ssyncset.done $0x0  }
0xa6: {  	[sflag:s22] =	ssyncadd.s32 s4;
	_ =	sdelay $0x1  }
0xa7: {  	s23 =	simm.s32 $0x1B8B  }
0xa8: {  	_ =	swait.ge [sflag:s23], $0x1  }
0xa9: {  	[sflag:s23] =	ssyncset.done $0x0  }
0xaa: {  	s25 =	simm.s32 $0x1B8E;
	s24 =	sld [smem:$0x3FFE];
	[sflag:s23] =	ssyncadd.s32 $0xFFFFFFFF  }
0xab: {  	s26 =	simm.s32 $execute0_lowered;
	[smem:$0x3FD2] =	sst s25  }
0xac: {  	s5 =	sshll.u32 s26, $0x1;
	_ =	strace $0x80000046;
	[dreg:$0x1] =	wrdreg $0xFFFFFFFF  }
0xad: {  	s28 =	simm.s32 $_size_execute0_lowered;
	s3 =	sadd.s32 s3, s5;
	[dreg:$0x0] =	wrdreg $0x0  }
0xae: {  	s5 =	sshll.u32 s28, $0x1;
	[dreg:$0x2] =	wrdreg s3  }
0xaf: {  	[dreg:$0x3] =	wrdreg s5  }
0xb0: {  	[dreg:$0x4] =	wrdreg $0xC0  }
0xb1: {  	_ =	task [dreg:s7], $0x5FFFF  }
0xb2: {  	[dreg:$0x1] =	wrdreg $0xFFFFFFFF  }
0xb3: {  	[dreg:$0x0] =	wrdreg $0x60  }
0xb4: {  	[dreg:$0x2] =	wrdreg s24  }
0xb5: {  	[dreg:$0x3] =	wrdreg s16  }
0xb6: {  	[dreg:$0x4] =	wrdreg $0x9  }
0xb7: {  	_ =	task.clear_ibuf [dreg:s7], $0x5FFFF;
	_ =	strace $0x90000046  }
0xb8: {  	s29 =	simm.s32 $0x9;
	_ =	strace $0x80000048  }
0xb9: {  	_ =	swait.ge [sflag:s29], $0x1  }
0xba: {  	[sflag:s29] =	ssyncadd.s32 $0xFFFFFFFF  }
0xbb: {  	_ =	strace $0x90000048  }
0xbc: {  	_ =	sfence  }
0xbd: {  	s30 =	sld [smem:$0x0];
	_ =	sdelay $0x2  }
0xbe: {  	s31 =	sshll.u32 s1, $0xD;
	s1 =	sshrl.u32 s1, $0x2  }
0xbf: {  	s3 =	sand.u32 $0x4000, s31;
	s1 =	sadd.s32 s1, s30  }
0xc0: {  	s0 =	sor.u32 s3, s0;
	s1 =	sshll.u32 s1, $0x11  }
0xc1: {  	s0 =	sor.u32 s1, s0  }
0xc2: {  	s0 =	sadd.s32 $0x8F2B, s0  }
0xc3: {  	[sflag:s0] =	ssyncadd.remote.s32 $0x1  }
0xc4: {  	_ =	sfence.sel $0xFFFF  }
0xc5: {  	[dreg:$0x0] =	wrdreg $0xFFFFFFFF;
	(pc) =	sbr.abs _section_cstart, $3  }
0xc6: {  	[dreg:$0x1] =	wrdreg $0xFFFFFFFF  }
0xc7: {  	_ =	task.clear_ibuf [dreg:s7], $0x2FFFF;
	_ =	strace $0x9FFFFFFF  }
0xc8: {  	(tm) =	ssettm $0x7FFFFFFF  }
0xc9: {  	_ =	shalt  }
tec
execute0_lowered:
.L_overlay_start_1:
0x0: {  	(tag) =	ssettag $0x1  }
0x1: {  	s10 =	rddreg [dreg:$0x0]  }
0x2: {  	s2 =	rddreg [dreg:$0x1]  }
0x3: {  	s0 =	rddreg [dreg:$0x2];
	s3 =	simm.s32 $0x0;
	s4 =	srdreg.scid  }
0x4: {  	s1 =	stileid.u32;
	[smem:$0x7FF] =	sst s3  }
0x5: {  	s11 =	sand.u32 $0x1, s4;
	s5 =	sshll.u32 s1, $0x1;
	s4 =	sadd.s32 $0xE00, s10  }
0x6: {  	_ =	strace $0x80000047;
	s12 =	sor.u32 s11, s5;
	s5 =	simm.s32 $0x3  }
0x7: {  	[tilespmem:s3], [sflag:$0x3] =	stream.linear.gather [hbm4b:s4+s3], $0x400, $0x38;
	[tilespmem:$0x1400] =	vst v63  }
0x8: {  	s7 =	sshll.u32 s1, $0x6;
	s6 =	sshll.u32 s12, $0x5;
	_ =	swait.ge [sflag:s5], $0x400  }
0x9: {  	s7 =	sand.u32 $0x380, s7;
	s6 =	sand.u32 $0x60, s6;
	[sflag:s5] =	ssyncset.done $0x0  }
0xa: {  	s6 =	sor.u32 s6, s7;
	[sflag:s5] =	ssyncadd.s32 $0xFFFFFC00  }
0xb: {  	v0 =	vld [tilespmem:s6+$0x0];
	_ =	sdelay $0x1  }
0xc: {  	v1 =	vld [tilespmem:s6+$0x10];
	_ =	sdelay $0x4  }
0xd: {  	vm0 =	vmmov $0xffff;
	s7 =	simm.s32 $0x400  }
0xe: {  	[tilespmem:s7], [sflag:$0x1] =	stream.indirect_vreg.gather [hbm4b:s2+s3], $0x80, v0, vm0, $0xb8;
	[tilespmem:$0x1400] =	vst v63  }
0xf: {  	s8 =	simm.s32 $0xC00;
	s9 =	simm.s32 $0x1  }
0x10: {  	[tilespmem:s8], [sflag:$0x1] =	stream.indirect_vreg.gather [hbm4b:s2+s3], $0x80, v1, vm0, $0xb8;
	[tilespmem:$0x1400] =	vst v63  }
0x11: {  	s12 =	sshll.u32 s12, $0x9;
	_ =	swait.ge [sflag:s9], $0x800  }
0x12: {  	s13 =	ssub.s32 $0x2, s11;
	s12 =	sadd.s32 s12, s10;
	[sflag:s9] =	ssyncset.done $0x0  }
0x13: {  	s14 =	sshrl.u32 s13, $0x1;
	s10 =	sadd.s32 $0x1000, s12;
	[sflag:s9] =	ssyncadd.s32 $0xFFFFF800  }
0x14: {  	[hbm4b:s10+s3] =	stream.linear.scatter [tilespmem:s7], [sflag:$0x2], $0x800, $0x38;
	[tilespmem:$0x1400] =	vst v63  }
0x15: {  	s13 =	ssub.s32 s13, s14;
	_ =	swait.ge [sflag:s9], $0x800  }
0x16: {  	s11 =	simm.s32 $0x2;
	s13 =	smax.u32 s13, $0x1;
	[sflag:s9] =	ssyncset.done $0x0  }
0x17: {  	s12 =	sadd.s32 $0x1100, s12;
	p0 =	sne.s32 s13, $0x1;
	[sflag:s9] =	ssyncadd.s32 $0xFFFFF800  }
0x18: {  	[hbm4b:s12+s3] =	stream.linear.scatter [tilespmem:s8], [sflag:$0x2], $0x800, $0x38;
	[tilespmem:$0x1400] =	vst v63  }
.Ltmp0:
0x19: {  	_ =	swait.ge [sflag:s11], $0x800;
	(pc) =	sbr.rel @!p0 .LBB2_2-.Ltmp0, $4  }
0x1a: {  	[sflag:s11] =	ssyncset.done $0x0  }
0x1b: {  	[sflag:s11] =	ssyncadd.s32 $0xFFFFF800  }
0x1c: {  	_ =	swait.ge [sflag:s11], $0x800  }
0x1d: {  	s13 =	sadd.s32 $0xFFFFFFFF, s13;
	[sflag:s11] =	ssyncset.done $0x0  }
.LBB2_1:
0x1e: {  	p0 =	sne.s32 s13, $0x1;
	s13 =	sadd.s32 $0xFFFFFFFF, s13;
	[sflag:s11] =	ssyncadd.s32 $0xFFFFF800  }
0x1f: {  	[tilespmem:s3], [sflag:$0x3] =	stream.linear.gather [hbm4b:s4+s3], $0x400, $0x38;
	[tilespmem:$0x1400] =	vst v63  }
0x20: {  	_ =	swait.ge [sflag:s5], $0x400  }
0x21: {  	[sflag:s5] =	ssyncset.done $0x0  }
0x22: {  	[sflag:s5] =	ssyncadd.s32 $0xFFFFFC00  }
0x23: {  	v0 =	vld [tilespmem:s6+$0x0];
	_ =	sdelay $0x1  }
0x24: {  	v1 =	vld [tilespmem:s6+$0x10];
	_ =	sdelay $0x5  }
0x25: {  	[tilespmem:s7], [sflag:$0x1] =	stream.indirect_vreg.gather [hbm4b:s2+s3], $0x80, v0, vm0, $0xb8;
	[tilespmem:$0x1400] =	vst v63  }
0x26: {  	_ = 	snop  }
0x27: {  	[tilespmem:s8], [sflag:$0x1] =	stream.indirect_vreg.gather [hbm4b:s2+s3], $0x80, v1, vm0, $0xb8;
	[tilespmem:$0x1400] =	vst v63  }
0x28: {  	_ =	swait.ge [sflag:s9], $0x800  }
0x29: {  	[sflag:s9] =	ssyncset.done $0x0  }
0x2a: {  	[sflag:s9] =	ssyncadd.s32 $0xFFFFF800  }
0x2b: {  	[hbm4b:s10+s3] =	stream.linear.scatter [tilespmem:s7], [sflag:$0x2], $0x800, $0x38;
	[tilespmem:$0x1400] =	vst v63  }
0x2c: {  	_ =	swait.ge [sflag:s9], $0x800  }
0x2d: {  	[sflag:s9] =	ssyncset.done $0x0  }
0x2e: {  	[sflag:s9] =	ssyncadd.s32 $0xFFFFF800  }
0x2f: {  	[hbm4b:s12+s3] =	stream.linear.scatter [tilespmem:s8], [sflag:$0x2], $0x800, $0x38;
	[tilespmem:$0x1400] =	vst v63  }
.Ltmp1:
0x30: {  	_ =	swait.ge [sflag:s11], $0x800;
	(pc) =	sbr.rel @p0 .LBB2_1-.Ltmp1, $4  }
0x31: {  	[sflag:s11] =	ssyncset.done $0x0  }
0x32: {  	[sflag:s11] =	ssyncadd.s32 $0xFFFFF800  }
0x33: {  	_ =	swait.ge [sflag:s11], $0x800  }
0x34: {  	[sflag:s11] =	ssyncset.done $0x0  }
.LBB2_2:
0x35: {  	[sflag:s11] =	ssyncadd.s32 $0xFFFFF800  }
0x36: {  	_ =	sfence.sel $0x180000  }
0x37: {  	[bflag:$0x0] =	sbarrier.arrive $0xFFFF  }
0x38: {  	p0 =	sne.s32 s1, $0x0;
	_ =	strace $0x90000047  }
0x39: {  	s0 =	sadd.s32 @!p0 $0x100000, s0;
	[bflag:$0x2] =	sbarrier.arrive $0xFFFF  }
0x3a: {  	[sflag:s0] =	ssyncadd.tile.s32 @!p0 $0x1;
	_ =	shalt  }
.Lfunc_end2:
_tile_overlayer_lowered:
.L_overlay_start_2:
0x3b: {  	(tag) =	ssettag $0x2  }
0x3c: {  	s0 =	rddreg [dreg:$0x0];
	s2 =	stileid.u32  }
0x3d: {  	s1 =	rddreg [dreg:$0x1];
	p0 =	sne.s32 s2, $0x0  }
0x3e: {  	s3 =	rddreg [dreg:$0x2];
	[bflag:$0x3] =	sbarrier.arrive $0xFFFF;
	s2 =	simm.s32 @!p0 $0x1C03  }
0x3f: {  	[timem:s3], [sflag:s2] =	dma.local @!p0 [hbm:s0], s1  }
0x40: {  	s0 =	simm.s32 @!p0 $0x3  }
0x41: {  	_ =	swait.ge @!p0 [sflag:s0], s1  }
0x42: {  	s1 =	ssub.s32 @!p0 $0x0, s1;
	[sflag:s0] =	ssyncset.done @!p0 $0x0  }
0x43: {  	[sflag:s0] =	ssyncadd.s32 @!p0 s1  }
0x44: {  	[bflag:$0x3] =	sbarrier.arrive $0xFFFF  }
0x45: {  	_ =	shalt  }

</sc_bundles>
